<compile_context>
chip_gen: v7x
topology: tpu7x:2x2x1
jax: 0.10.2.dev20260603
libtpu: 0.0.44.dev20260713+nightly
codegen_flags: <defaults>
</compile_context>

<pallas_src>
import jax
import jax.numpy as jnp
from jax import lax
from jax.experimental import pallas as pl
from jax.experimental.pallas import tpu as pltpu
from jax.experimental.pallas import tpu_sc as plsc

VOCAB = 100000
MAXLEN = 200
DIM = 64
BATCH = 4096

NUM_CORES = 2
NUM_SUBCORES = 16
NW = NUM_CORES * NUM_SUBCORES

ROWS = BATCH * MAXLEN
ROWS_PER_W = ROWS // NW
CHUNK = 256
GATHER = 128
N_GATHER = CHUNK // GATHER
N_CHUNK = ROWS_PER_W // CHUNK
NBUF = 2
N_GROUP = N_CHUNK // NBUF
DIST = 1
LANES = 16
DSUB = DIM // LANES
RING = 512
IDX_ROWS = ROWS_PER_W // GATHER
PDIM = 2 * DIM


def _sc_body(x_hbm, tok_hbm, pos_hbm, out_hbm,
             idx_v, rows_v, stage_v, ring_v,
             gsem0, gsem1, osem0, osem1):
    gsems = [gsem0, gsem1]
    osems = [osem0, osem1]

    cid = lax.axis_index("c")
    sid = lax.axis_index("s")
    wid = sid * NUM_CORES + cid
    base = wid * ROWS_PER_W

    xrow = pl.multiple_of(wid * IDX_ROWS, 8)
    pltpu.sync_copy(x_hbm.at[pl.ds(xrow, IDX_ROWS)], idx_v)

    pltpu.sync_copy(pos_hbm, ring_v.at[pl.ds(0, MAXLEN)])
    pltpu.sync_copy(pos_hbm, ring_v.at[pl.ds(MAXLEN, MAXLEN)])
    pltpu.sync_copy(pos_hbm.at[pl.ds(0, RING - 2 * MAXLEN)],
                    ring_v.at[pl.ds(2 * MAXLEN, RING - 2 * MAXLEN)])

    def fire_chunk(ci, b):
        for t in range(N_GATHER):
            pltpu.async_copy(
                tok_hbm.at[idx_v.at[ci * N_GATHER + t]],
                rows_v.at[b, pl.ds(t * GATHER, GATHER)],
                gsems[b],
            )

    def wait_gathers(b):
        pltpu.make_async_copy(
            tok_hbm.at[pl.ds(0, CHUNK)], rows_v.at[b], gsems[b]
        ).wait()

    def fire_write(ci, b):
        off = pl.multiple_of((base + ci * CHUNK) // 2, CHUNK // 2)
        pltpu.async_copy(stage_v.at[b],
                         out_hbm.at[pl.ds(off, CHUNK // 2)], osems[b])

    def wait_write(b):
        pltpu.make_async_copy(
            stage_v.at[b], out_hbm.at[pl.ds(0, CHUNK // 2)], osems[b]
        ).wait()

    def add_pos(ci, b):
        m0 = lax.rem(ci * CHUNK, MAXLEN)

        @plsc.parallel_loop(0, CHUNK // 2, unroll=4)
        def _(p):
            r = 2 * p
            for h in range(2):
                for jj in range(DSUB):
                    sl = pl.ds(jj * LANES, LANES)
                    so = pl.ds(h * DIM + jj * LANES, LANES)
                    stage_v[b, p, so] = rows_v[b, r + h, sl] + ring_v[m0 + r + h, sl]

    for c in range(DIST):
        fire_chunk(c, c)

    def group_body(g, carry):
        for b in range(NBUF):
            i = g * NBUF + b
            wait_gathers(b)

            pb = (b + DIST) % NBUF
            if b + DIST < NBUF:
                @pl.when(g >= 1)
                def _():
                    wait_write(pb)
                fire_chunk(g * NBUF + b + DIST, pb)
            else:
                @pl.when(g + 1 < N_GROUP)
                def _():
                    wait_write(pb)
                    fire_chunk((g + 1) * NBUF + (b + DIST - NBUF), pb)

            add_pos(i, b)
            fire_write(i, b)
        return carry

    lax.fori_loop(0, N_GROUP, group_body, 0)

    for b in range(NBUF):
        wait_write(b)


@jax.jit
def kernel(x, token_table, pos_table):
    x_flat = x.reshape(ROWS // GATHER, GATHER).astype(jnp.int32)
    mesh = plsc.VectorSubcoreMesh(
        core_axis_name="c", subcore_axis_name="s",
        num_cores=NUM_CORES, num_subcores=NUM_SUBCORES,
    )
    out = pl.kernel(
        _sc_body,
        out_type=jax.ShapeDtypeStruct((ROWS // 2, PDIM), jnp.float32),
        mesh=mesh,
        scratch_types=[
            pltpu.VMEM((IDX_ROWS, GATHER), jnp.int32),
            pltpu.VMEM((NBUF, CHUNK, DIM), jnp.float32),
            pltpu.VMEM((NBUF, CHUNK // 2, PDIM), jnp.float32),
            pltpu.VMEM((RING, DIM), jnp.float32),
        ] + [pltpu.SemaphoreType.DMA] * (2 * NBUF),
        compiler_params=pltpu.CompilerParams(use_tc_tiling_on_sc=False),
    )(x_flat, token_table, pos_table)
    return out.reshape(BATCH, MAXLEN, DIM)

# --- scband reference (transcript-rebuilt; emitter-appended) ---
"""Pipeline reference for scband-token-and-position-embedding-16449724745327 (READ-ONLY COPY).

The authoritative reference and input builder live on the scoring server;
editing this copy changes nothing except your own understanding.
"""

import jax, jax.numpy as jnp
import numpy as np

VOCAB_SIZE = 100000
MAXLEN = 200
EMBED_DIM = 64
BATCH = 4096

def setup_inputs(seed: int = 0) -> dict:
    key = jax.random.key(seed)
    k1, k2, k3 = jax.random.split(key, 3)
    x = jax.random.randint(k1, (BATCH, MAXLEN), 0, VOCAB_SIZE, dtype=jnp.int64 if jax.config.jax_enable_x64 else jnp.int32)
    token_table = jax.random.normal(k2, (VOCAB_SIZE, EMBED_DIM), dtype=jnp.float32) * 0.05
    pos_table = jax.random.normal(k3, (MAXLEN, EMBED_DIM), dtype=jnp.float32) * 0.05
    return {"x": x, "token_table": token_table, "pos_table": pos_table}

def reference(x, token_table, pos_table):
    maxlen = x.shape[-1]
    positions = jnp.arange(0, maxlen)
    pos_emb = jnp.take(pos_table, positions, axis=0)  # [maxlen, embed_dim]
    tok_emb = jnp.take(token_table, x, axis=0)        # [batch, maxlen, embed_dim]
    return tok_emb + pos_emb[None, :, :]

if __name__ == "__main__":
    import jax
    _d = setup_inputs()
    print(jax.jit(kernel)(*tuple(_d.values())))

</pallas_src>

<mosaic_0001>
#map = affine_map<(d0, d1) -> (0, 0)>
module attributes {stable_mosaic.version = 14 : i64} {
  func.func @_sc_body(%arg0: i32, %arg1: i32, %arg2: memref<6400x128xi32, #tpu.memory_space<hbm>>, %arg3: memref<100000x64xf32, #tpu.memory_space<hbm>>, %arg4: memref<200x64xf32, #tpu.memory_space<hbm>>, %arg5: memref<409600x128xf32, #tpu.memory_space<hbm>>, %arg6: memref<200x128xi32, #tpu.memory_space<vmem>>, %arg7: memref<2x256x64xf32, #tpu.memory_space<vmem>>, %arg8: memref<2x128x128xf32, #tpu.memory_space<vmem>>, %arg9: memref<512x64xf32, #tpu.memory_space<vmem>>, %arg10: memref<!tpu.dma_semaphore, #tpu.memory_space<semaphore_mem>>, %arg11: memref<!tpu.dma_semaphore, #tpu.memory_space<semaphore_mem>>, %arg12: memref<!tpu.dma_semaphore, #tpu.memory_space<semaphore_mem>>, %arg13: memref<!tpu.dma_semaphore, #tpu.memory_space<semaphore_mem>>) attributes {dimension_semantics = [#tpu.dimension_semantics<core_parallel>, #tpu.dimension_semantics<subcore_parallel>], iteration_bounds = array<i64: 2, 16>, scalar_prefetch = 0 : i64, scratch_operands = 8 : i64, tpu.core_type = #tpu.core_type<sc_vector_subcore>, window_params = [{transform_indices = #map}, {transform_indices = #map}, {transform_indices = #map}, {transform_indices = #map}]} {
    %mul3A = arith.constant 2 : i32
    %mul3A_0 = arith.muli %arg1, %mul3A : i32
    %add3A = arith.addi %mul3A_0, %arg0 : i32
    %mul3A_1 = arith.constant 25600 : i32
    %mul3A_2 = arith.muli %add3A, %mul3A_1 : i32
    %mul3A_3 = arith.constant 200 : i32
    %mul3A_4 = arith.muli %add3A, %mul3A_3 : i32
    %multiple_of3A = tpu.assume_multiple %mul3A_4, 8 : i32
    "tpu.region"() ({
      %run_scoped3A = tpu.sem_alloc : memref<!tpu.dma_semaphore, #tpu.memory_space<semaphore_mem>>
      %dma_start3A_62 = arith.constant 0 : i32
      %dma_start3A_63 = tpu.memref_slice %arg2[%multiple_of3A, %dma_start3A_62] : memref<6400x128xi32, #tpu.memory_space<hbm>> -> memref<200x128xi32, #tpu.memory_space<hbm>>
      %dma_start3A_64 = arith.constant 0 : i32
      %dma_start3A_65 = tpu.memref_slice %arg2[%multiple_of3A, %dma_start3A_64] : memref<6400x128xi32, #tpu.memory_space<hbm>> -> memref<200x128xi32, #tpu.memory_space<hbm>>
      tpu.enqueue_dma source(%dma_start3A_65 : memref<200x128xi32, #tpu.memory_space<hbm>>) target(%arg6 : memref<200x128xi32, #tpu.memory_space<vmem>>) target_semaphore(%run_scoped3A : memref<!tpu.dma_semaphore, #tpu.memory_space<semaphore_mem>>)
      %dma_wait3A_66 = arith.constant 0 : i32
      %dma_wait3A_67 = tpu.memref_slice %arg2[%multiple_of3A, %dma_wait3A_66] : memref<6400x128xi32, #tpu.memory_space<hbm>> -> memref<200x128xi32, #tpu.memory_space<hbm>>
      %dma_wait3A_68 = arith.constant 0 : i32
      %dma_wait3A_69 = tpu.memref_slice %arg2[%multiple_of3A, %dma_wait3A_68] : memref<6400x128xi32, #tpu.memory_space<hbm>> -> memref<200x128xi32, #tpu.memory_space<hbm>>
      tpu.wait_dma2 semaphore(%run_scoped3A : memref<!tpu.dma_semaphore, #tpu.memory_space<semaphore_mem>>) src(%dma_wait3A_69 : memref<200x128xi32, #tpu.memory_space<hbm>>) dst(%arg6 : memref<200x128xi32, #tpu.memory_space<vmem>>)
      tpu.yield
    }) : () -> ()
    "tpu.region"() ({
      %run_scoped3A = tpu.sem_alloc : memref<!tpu.dma_semaphore, #tpu.memory_space<semaphore_mem>>
      %dma_start3A_62 = arith.constant 0 : i32
      %dma_start3A_63 = arith.constant 0 : i32
      %dma_start3A_64 = tpu.memref_slice %arg9[%dma_start3A_62, %dma_start3A_63] : memref<512x64xf32, #tpu.memory_space<vmem>> -> memref<200x64xf32, #tpu.memory_space<vmem>>
      %dma_start3A_65 = arith.constant 0 : i32
      %dma_start3A_66 = arith.constant 0 : i32
      %dma_start3A_67 = tpu.memref_slice %arg9[%dma_start3A_65, %dma_start3A_66] : memref<512x64xf32, #tpu.memory_space<vmem>> -> memref<200x64xf32, #tpu.memory_space<vmem>>
      tpu.enqueue_dma source(%arg4 : memref<200x64xf32, #tpu.memory_space<hbm>>) target(%dma_start3A_67 : memref<200x64xf32, #tpu.memory_space<vmem>>) target_semaphore(%run_scoped3A : memref<!tpu.dma_semaphore, #tpu.memory_space<semaphore_mem>>)
      %dma_wait3A_68 = arith.constant 0 : i32
      %dma_wait3A_69 = arith.constant 0 : i32
      %dma_wait3A_70 = tpu.memref_slice %arg9[%dma_wait3A_68, %dma_wait3A_69] : memref<512x64xf32, #tpu.memory_space<vmem>> -> memref<200x64xf32, #tpu.memory_space<vmem>>
      %dma_wait3A_71 = arith.constant 0 : i32
      %dma_wait3A_72 = arith.constant 0 : i32
      %dma_wait3A_73 = tpu.memref_slice %arg9[%dma_wait3A_71, %dma_wait3A_72] : memref<512x64xf32, #tpu.memory_space<vmem>> -> memref<200x64xf32, #tpu.memory_space<vmem>>
      tpu.wait_dma2 semaphore(%run_scoped3A : memref<!tpu.dma_semaphore, #tpu.memory_space<semaphore_mem>>) src(%arg4 : memref<200x64xf32, #tpu.memory_space<hbm>>) dst(%dma_wait3A_73 : memref<200x64xf32, #tpu.memory_space<vmem>>)
      tpu.yield
    }) : () -> ()
    "tpu.region"() ({
      %run_scoped3A = tpu.sem_alloc : memref<!tpu.dma_semaphore, #tpu.memory_space<semaphore_mem>>
      %dma_start3A_62 = arith.constant 200 : i32
      %dma_start3A_63 = arith.constant 0 : i32
      %dma_start3A_64 = tpu.memref_slice %arg9[%dma_start3A_62, %dma_start3A_63] : memref<512x64xf32, #tpu.memory_space<vmem>> -> memref<200x64xf32, #tpu.memory_space<vmem>>
      %dma_start3A_65 = arith.constant 200 : i32
      %dma_start3A_66 = arith.constant 0 : i32
      %dma_start3A_67 = tpu.memref_slice %arg9[%dma_start3A_65, %dma_start3A_66] : memref<512x64xf32, #tpu.memory_space<vmem>> -> memref<200x64xf32, #tpu.memory_space<vmem>>
      tpu.enqueue_dma source(%arg4 : memref<200x64xf32, #tpu.memory_space<hbm>>) target(%dma_start3A_67 : memref<200x64xf32, #tpu.memory_space<vmem>>) target_semaphore(%run_scoped3A : memref<!tpu.dma_semaphore, #tpu.memory_space<semaphore_mem>>)
      %dma_wait3A_68 = arith.constant 200 : i32
      %dma_wait3A_69 = arith.constant 0 : i32
      %dma_wait3A_70 = tpu.memref_slice %arg9[%dma_wait3A_68, %dma_wait3A_69] : memref<512x64xf32, #tpu.memory_space<vmem>> -> memref<200x64xf32, #tpu.memory_space<vmem>>
      %dma_wait3A_71 = arith.constant 200 : i32
      %dma_wait3A_72 = arith.constant 0 : i32
      %dma_wait3A_73 = tpu.memref_slice %arg9[%dma_wait3A_71, %dma_wait3A_72] : memref<512x64xf32, #tpu.memory_space<vmem>> -> memref<200x64xf32, #tpu.memory_space<vmem>>
      tpu.wait_dma2 semaphore(%run_scoped3A : memref<!tpu.dma_semaphore, #tpu.memory_space<semaphore_mem>>) src(%arg4 : memref<200x64xf32, #tpu.memory_space<hbm>>) dst(%dma_wait3A_73 : memref<200x64xf32, #tpu.memory_space<vmem>>)
      tpu.yield
    }) : () -> ()
    "tpu.region"() ({
      %run_scoped3A = tpu.sem_alloc : memref<!tpu.dma_semaphore, #tpu.memory_space<semaphore_mem>>
      %dma_start3A_62 = arith.constant 400 : i32
      %dma_start3A_63 = arith.constant 0 : i32
      %dma_start3A_64 = tpu.memref_slice %arg9[%dma_start3A_62, %dma_start3A_63] : memref<512x64xf32, #tpu.memory_space<vmem>> -> memref<112x64xf32, #tpu.memory_space<vmem>>
      %dma_start3A_65 = arith.constant 0 : i32
      %dma_start3A_66 = arith.constant 0 : i32
      %dma_start3A_67 = tpu.memref_slice %arg4[%dma_start3A_65, %dma_start3A_66] : memref<200x64xf32, #tpu.memory_space<hbm>> -> memref<112x64xf32, #tpu.memory_space<hbm>>
      %dma_start3A_68 = arith.constant 400 : i32
      %dma_start3A_69 = arith.constant 0 : i32
      %dma_start3A_70 = tpu.memref_slice %arg9[%dma_start3A_68, %dma_start3A_69] : memref<512x64xf32, #tpu.memory_space<vmem>> -> memref<112x64xf32, #tpu.memory_space<vmem>>
      %dma_start3A_71 = arith.constant 0 : i32
      %dma_start3A_72 = arith.constant 0 : i32
      %dma_start3A_73 = tpu.memref_slice %arg4[%dma_start3A_71, %dma_start3A_72] : memref<200x64xf32, #tpu.memory_space<hbm>> -> memref<112x64xf32, #tpu.memory_space<hbm>>
      tpu.enqueue_dma source(%dma_start3A_73 : memref<112x64xf32, #tpu.memory_space<hbm>>) target(%dma_start3A_70 : memref<112x64xf32, #tpu.memory_space<vmem>>) target_semaphore(%run_scoped3A : memref<!tpu.dma_semaphore, #tpu.memory_space<semaphore_mem>>)
      %dma_wait3A_74 = arith.constant 400 : i32
      %dma_wait3A_75 = arith.constant 0 : i32
      %dma_wait3A_76 = tpu.memref_slice %arg9[%dma_wait3A_74, %dma_wait3A_75] : memref<512x64xf32, #tpu.memory_space<vmem>> -> memref<112x64xf32, #tpu.memory_space<vmem>>
      %dma_wait3A_77 = arith.constant 0 : i32
      %dma_wait3A_78 = arith.constant 0 : i32
      %dma_wait3A_79 = tpu.memref_slice %arg4[%dma_wait3A_77, %dma_wait3A_78] : memref<200x64xf32, #tpu.memory_space<hbm>> -> memref<112x64xf32, #tpu.memory_space<hbm>>
      %dma_wait3A_80 = arith.constant 400 : i32
      %dma_wait3A_81 = arith.constant 0 : i32
      %dma_wait3A_82 = tpu.memref_slice %arg9[%dma_wait3A_80, %dma_wait3A_81] : memref<512x64xf32, #tpu.memory_space<vmem>> -> memref<112x64xf32, #tpu.memory_space<vmem>>
      %dma_wait3A_83 = arith.constant 0 : i32
      %dma_wait3A_84 = arith.constant 0 : i32
      %dma_wait3A_85 = tpu.memref_slice %arg4[%dma_wait3A_83, %dma_wait3A_84] : memref<200x64xf32, #tpu.memory_space<hbm>> -> memref<112x64xf32, #tpu.memory_space<hbm>>
      tpu.wait_dma2 semaphore(%run_scoped3A : memref<!tpu.dma_semaphore, #tpu.memory_space<semaphore_mem>>) src(%dma_wait3A_85 : memref<112x64xf32, #tpu.memory_space<hbm>>) dst(%dma_wait3A_82 : memref<112x64xf32, #tpu.memory_space<vmem>>)
      tpu.yield
    }) : () -> ()
    %dma_start3A = arith.constant 0 : i32
    %dma_start3A_5 = arith.constant 0 : i32
    %dma_start3A_6 = arith.constant 0 : i32
    %dma_start3A_7 = arith.constant 0 : i32
    %dma_start3A_8 = tpu.memref_slice %arg7[%dma_start3A_5, %dma_start3A_6, %dma_start3A_7] : memref<2x256x64xf32, #tpu.memory_space<vmem>> -> memref<1x128x64xf32, #tpu.memory_space<vmem>>
    %dma_start3A_9 = tpu.memref_squeeze %dma_start3A_8 : memref<1x128x64xf32, #tpu.memory_space<vmem>> -> memref<128x64xf32, #tpu.memory_space<vmem>>
    %dma_start3A_10 = arith.constant 0 : i32
    %dma_start3A_11 = tpu.memref_slice %arg6[%dma_start3A, %dma_start3A_10] : memref<200x128xi32, #tpu.memory_space<vmem>> -> memref<1x128xi32, #tpu.memory_space<vmem>>
    %dma_start3A_12 = tpu.memref_squeeze %dma_start3A_11 : memref<1x128xi32, #tpu.memory_space<vmem>> -> memref<128xi32, #tpu.memory_space<vmem>>
    %dma_start3A_13 = arith.constant 0 : i32
    %dma_start3A_14 = arith.constant 0 : i32
    %dma_start3A_15 = tpu.memref_slice %arg3[%dma_start3A_13, %dma_start3A_14] : memref<100000x64xf32, #tpu.memory_space<hbm>> -> memref<100000x64xf32, #tpu.memory_space<hbm>>
    tpu.enqueue_indirect_dma source(%dma_start3A_15 : memref<100000x64xf32, #tpu.memory_space<hbm>>) target(%dma_start3A_9 : memref<128x64xf32, #tpu.memory_space<vmem>>) offsets(%dma_start3A_12 : memref<128xi32, #tpu.memory_space<vmem>>) semaphore(%arg10 : memref<!tpu.dma_semaphore, #tpu.memory_space<semaphore_mem>>)
    %dma_start3A_16 = arith.constant 1 : i32
    %dma_start3A_17 = arith.constant 0 : i32
    %dma_start3A_18 = arith.constant 128 : i32
    %dma_start3A_19 = arith.constant 0 : i32
    %dma_start3A_20 = tpu.memref_slice %arg7[%dma_start3A_17, %dma_start3A_18, %dma_start3A_19] : memref<2x256x64xf32, #tpu.memory_space<vmem>> -> memref<1x128x64xf32, #tpu.memory_space<vmem>>
    %dma_start3A_21 = tpu.memref_squeeze %dma_start3A_20 : memref<1x128x64xf32, #tpu.memory_space<vmem>> -> memref<128x64xf32, #tpu.memory_space<vmem>>
    %dma_start3A_22 = arith.constant 0 : i32
    %dma_start3A_23 = tpu.memref_slice %arg6[%dma_start3A_16, %dma_start3A_22] : memref<200x128xi32, #tpu.memory_space<vmem>> -> memref<1x128xi32, #tpu.memory_space<vmem>>
    %dma_start3A_24 = tpu.memref_squeeze %dma_start3A_23 : memref<1x128xi32, #tpu.memory_space<vmem>> -> memref<128xi32, #tpu.memory_space<vmem>>
    %dma_start3A_25 = arith.constant 0 : i32
    %dma_start3A_26 = arith.constant 0 : i32
    %dma_start3A_27 = tpu.memref_slice %arg3[%dma_start3A_25, %dma_start3A_26] : memref<100000x64xf32, #tpu.memory_space<hbm>> -> memref<100000x64xf32, #tpu.memory_space<hbm>>
    tpu.enqueue_indirect_dma source(%dma_start3A_27 : memref<100000x64xf32, #tpu.memory_space<hbm>>) target(%dma_start3A_21 : memref<128x64xf32, #tpu.memory_space<vmem>>) offsets(%dma_start3A_24 : memref<128xi32, #tpu.memory_space<vmem>>) semaphore(%arg10 : memref<!tpu.dma_semaphore, #tpu.memory_space<semaphore_mem>>)
    %scan3A = arith.constant 0 : i32
    %scan3A_28 = arith.constant 0 : i32
    %scan3A_29 = arith.constant 50 : i32
    %scan3A_30 = arith.addi %scan3A_28, %scan3A_29 : i32
    %scan3A_31 = arith.constant 1 : i32
    scf.for %scan3A_62 = %scan3A_28 to %scan3A_30 step %scan3A_31  : i32 {
      %mul3A_63 = arith.constant 2 : i32
      %mul3A_64 = arith.muli %scan3A_62, %mul3A_63 : i32
      %add3A_65 = arith.constant 0 : i32
      %add3A_66 = arith.addi %mul3A_64, %add3A_65 : i32
      %dma_wait3A_67 = arith.constant 0 : i32
      %dma_wait3A_68 = arith.constant 0 : i32
      %dma_wait3A_69 = arith.constant 0 : i32
      %dma_wait3A_70 = tpu.memref_slice %arg7[%dma_wait3A_67, %dma_wait3A_68, %dma_wait3A_69] : memref<2x256x64xf32, #tpu.memory_space<vmem>> -> memref<1x256x64xf32, #tpu.memory_space<vmem>>
      %dma_wait3A_71 = tpu.memref_squeeze %dma_wait3A_70 : memref<1x256x64xf32, #tpu.memory_space<vmem>> -> memref<256x64xf32, #tpu.memory_space<vmem>>
      %dma_wait3A_72 = arith.constant 0 : i32
      %dma_wait3A_73 = arith.constant 0 : i32
      %dma_wait3A_74 = tpu.memref_slice %arg3[%dma_wait3A_72, %dma_wait3A_73] : memref<100000x64xf32, #tpu.memory_space<hbm>> -> memref<256x64xf32, #tpu.memory_space<hbm>>
      %dma_wait3A_75 = arith.constant 0 : i32
      %dma_wait3A_76 = arith.constant 0 : i32
      %dma_wait3A_77 = tpu.memref_slice %arg7[%dma_wait3A_67, %dma_wait3A_75, %dma_wait3A_76] : memref<2x256x64xf32, #tpu.memory_space<vmem>> -> memref<1x256x64xf32, #tpu.memory_space<vmem>>
      %dma_wait3A_78 = tpu.memref_squeeze %dma_wait3A_77 : memref<1x256x64xf32, #tpu.memory_space<vmem>> -> memref<256x64xf32, #tpu.memory_space<vmem>>
      %dma_wait3A_79 = arith.constant 0 : i32
      %dma_wait3A_80 = arith.constant 0 : i32
      %dma_wait3A_81 = tpu.memref_slice %arg3[%dma_wait3A_79, %dma_wait3A_80] : memref<100000x64xf32, #tpu.memory_space<hbm>> -> memref<256x64xf32, #tpu.memory_space<hbm>>
      tpu.wait_dma2 semaphore(%arg10 : memref<!tpu.dma_semaphore, #tpu.memory_space<semaphore_mem>>) src(%dma_wait3A_81 : memref<256x64xf32, #tpu.memory_space<hbm>>) dst(%dma_wait3A_78 : memref<256x64xf32, #tpu.memory_space<vmem>>)
      %ge3A = arith.constant 1 : i32
      %ge3A_82 = arith.cmpi sge, %scan3A_62, %ge3A : i32
      %convert_element_type3A = arith.extui %ge3A_82 : i1 to i32
      %cond3A = arith.constant 0 : i32
      %cond3A_83 = arith.cmpi ne, %convert_element_type3A, %cond3A : i32
      scf.if %cond3A_83 {
        %dma_wait3A_232 = arith.constant 1 : i32
        %dma_wait3A_233 = arith.constant 0 : i32
        %dma_wait3A_234 = arith.constant 0 : i32
        %dma_wait3A_235 = tpu.memref_slice %arg8[%dma_wait3A_232, %dma_wait3A_233, %dma_wait3A_234] : memref<2x128x128xf32, #tpu.memory_space<vmem>> -> memref<1x128x128xf32, #tpu.memory_space<vmem>>
        %dma_wait3A_236 = tpu.memref_squeeze %dma_wait3A_235 : memref<1x128x128xf32, #tpu.memory_space<vmem>> -> memref<128x128xf32, #tpu.memory_space<vmem>>
        %dma_wait3A_237 = arith.constant 0 : i32
        %dma_wait3A_238 = arith.constant 0 : i32
        %dma_wait3A_239 = tpu.memref_slice %arg5[%dma_wait3A_237, %dma_wait3A_238] : memref<409600x128xf32, #tpu.memory_space<hbm>> -> memref<128x128xf32, #tpu.memory_space<hbm>>
        %dma_wait3A_240 = arith.constant 0 : i32
        %dma_wait3A_241 = arith.constant 0 : i32
        %dma_wait3A_242 = tpu.memref_slice %arg5[%dma_wait3A_240, %dma_wait3A_241] : memref<409600x128xf32, #tpu.memory_space<hbm>> -> memref<128x128xf32, #tpu.memory_space<hbm>>
        %dma_wait3A_243 = arith.constant 0 : i32
        %dma_wait3A_244 = arith.constant 0 : i32
        %dma_wait3A_245 = tpu.memref_slice %arg8[%dma_wait3A_232, %dma_wait3A_243, %dma_wait3A_244] : memref<2x128x128xf32, #tpu.memory_space<vmem>> -> memref<1x128x128xf32, #tpu.memory_space<vmem>>
        %dma_wait3A_246 = tpu.memref_squeeze %dma_wait3A_245 : memref<1x128x128xf32, #tpu.memory_space<vmem>> -> memref<128x128xf32, #tpu.memory_space<vmem>>
        tpu.wait_dma2 semaphore(%arg13 : memref<!tpu.dma_semaphore, #tpu.memory_space<semaphore_mem>>) src(%dma_wait3A_246 : memref<128x128xf32, #tpu.memory_space<vmem>>) dst(%dma_wait3A_242 : memref<128x128xf32, #tpu.memory_space<hbm>>)
      } else {
      }
      %mul3A_84 = arith.constant 2 : i32
      %mul3A_85 = arith.muli %scan3A_62, %mul3A_84 : i32
      %add3A_86 = arith.constant 0 : i32
      %add3A_87 = arith.addi %mul3A_85, %add3A_86 : i32
      %add3A_88 = arith.constant 1 : i32
      %add3A_89 = arith.addi %add3A_87, %add3A_88 : i32
      %mul3A_90 = arith.constant 2 : i32
      %mul3A_91 = arith.muli %add3A_89, %mul3A_90 : i32
      %add3A_92 = arith.constant 0 : i32
      %add3A_93 = arith.addi %mul3A_91, %add3A_92 : i32
      %dma_start3A_94 = arith.constant 1 : i32
      %dma_start3A_95 = arith.constant 0 : i32
      %dma_start3A_96 = arith.constant 0 : i32
      %dma_start3A_97 = tpu.memref_slice %arg7[%dma_start3A_94, %dma_start3A_95, %dma_start3A_96] : memref<2x256x64xf32, #tpu.memory_space<vmem>> -> memref<1x128x64xf32, #tpu.memory_space<vmem>>
      %dma_start3A_98 = tpu.memref_squeeze %dma_start3A_97 : memref<1x128x64xf32, #tpu.memory_space<vmem>> -> memref<128x64xf32, #tpu.memory_space<vmem>>
      %dma_start3A_99 = arith.constant 0 : i32
      %dma_start3A_100 = tpu.memref_slice %arg6[%add3A_93, %dma_start3A_99] : memref<200x128xi32, #tpu.memory_space<vmem>> -> memref<1x128xi32, #tpu.memory_space<vmem>>
      %dma_start3A_101 = tpu.memref_squeeze %dma_start3A_100 : memref<1x128xi32, #tpu.memory_space<vmem>> -> memref<128xi32, #tpu.memory_space<vmem>>
      %dma_start3A_102 = arith.constant 0 : i32
      %dma_start3A_103 = arith.constant 0 : i32
      %dma_start3A_104 = tpu.memref_slice %arg3[%dma_start3A_102, %dma_start3A_103] : memref<100000x64xf32, #tpu.memory_space<hbm>> -> memref<100000x64xf32, #tpu.memory_space<hbm>>
      tpu.enqueue_indirect_dma source(%dma_start3A_104 : memref<100000x64xf32, #tpu.memory_space<hbm>>) target(%dma_start3A_98 : memref<128x64xf32, #tpu.memory_space<vmem>>) offsets(%dma_start3A_101 : memref<128xi32, #tpu.memory_space<vmem>>) semaphore(%arg11 : memref<!tpu.dma_semaphore, #tpu.memory_space<semaphore_mem>>)
      %mul3A_105 = arith.constant 2 : i32
      %mul3A_106 = arith.muli %add3A_89, %mul3A_105 : i32
      %add3A_107 = arith.constant 1 : i32
      %add3A_108 = arith.addi %mul3A_106, %add3A_107 : i32
      %dma_start3A_109 = arith.constant 1 : i32
      %dma_start3A_110 = arith.constant 128 : i32
      %dma_start3A_111 = arith.constant 0 : i32
      %dma_start3A_112 = tpu.memref_slice %arg7[%dma_start3A_109, %dma_start3A_110, %dma_start3A_111] : memref<2x256x64xf32, #tpu.memory_space<vmem>> -> memref<1x128x64xf32, #tpu.memory_space<vmem>>
      %dma_start3A_113 = tpu.memref_squeeze %dma_start3A_112 : memref<1x128x64xf32, #tpu.memory_space<vmem>> -> memref<128x64xf32, #tpu.memory_space<vmem>>
      %dma_start3A_114 = arith.constant 0 : i32
      %dma_start3A_115 = tpu.memref_slice %arg6[%add3A_108, %dma_start3A_114] : memref<200x128xi32, #tpu.memory_space<vmem>> -> memref<1x128xi32, #tpu.memory_space<vmem>>
      %dma_start3A_116 = tpu.memref_squeeze %dma_start3A_115 : memref<1x128xi32, #tpu.memory_space<vmem>> -> memref<128xi32, #tpu.memory_space<vmem>>
      %dma_start3A_117 = arith.constant 0 : i32
      %dma_start3A_118 = arith.constant 0 : i32
      %dma_start3A_119 = tpu.memref_slice %arg3[%dma_start3A_117, %dma_start3A_118] : memref<100000x64xf32, #tpu.memory_space<hbm>> -> memref<100000x64xf32, #tpu.memory_space<hbm>>
      tpu.enqueue_indirect_dma source(%dma_start3A_119 : memref<100000x64xf32, #tpu.memory_space<hbm>>) target(%dma_start3A_113 : memref<128x64xf32, #tpu.memory_space<vmem>>) offsets(%dma_start3A_116 : memref<128xi32, #tpu.memory_space<vmem>>) semaphore(%arg11 : memref<!tpu.dma_semaphore, #tpu.memory_space<semaphore_mem>>)
      %mul3A_120 = arith.constant 256 : i32
      %mul3A_121 = arith.muli %add3A_66, %mul3A_120 : i32
      %rem3A = arith.constant 200 : i32
      %rem3A_122 = arith.remsi %mul3A_121, %rem3A : i32
      %parallel_loop3A = arith.constant 0 : i32
      %parallel_loop3A_123 = arith.constant 128 : i32
      %parallel_loop3A_124 = arith.constant 1 : i32
      scf.for %parallel_loop3A_232 = %parallel_loop3A to %parallel_loop3A_123 step %parallel_loop3A_124  : i32 {
        %parallel_loop3A_233 = arith.constant 2 : i32
        %parallel_loop3A_234 = arith.muli %parallel_loop3A_233, %parallel_loop3A_232 : i32
        %parallel_loop3A_235 = arith.constant 0 : i32
        %parallel_loop3A_236 = arith.addi %parallel_loop3A_234, %parallel_loop3A_235 : i32
        %parallel_loop3A_237 = arith.constant 0 : i32
        %parallel_loop3A_238 = arith.index_cast %parallel_loop3A_237 : i32 to index
        %parallel_loop3A_239 = arith.index_cast %parallel_loop3A_236 : i32 to index
        %parallel_loop3A_240 = arith.constant 0 : index
        %parallel_loop3A_241 = tpu.vector_load %arg7[%parallel_loop3A_238, %parallel_loop3A_239, %parallel_loop3A_240] {strides = array<i32>} : memref<2x256x64xf32, #tpu.memory_space<vmem>>, vector<1x1x16xf32>,
        %parallel_loop3A_242 = vector.shape_cast %parallel_loop3A_241 : vector<1x1x16xf32> to vector<16xf32>
        %parallel_loop3A_243 = arith.addi %rem3A_122, %parallel_loop3A_234 : i32
        %parallel_loop3A_244 = arith.constant 0 : i32
        %parallel_loop3A_245 = arith.addi %parallel_loop3A_243, %parallel_loop3A_244 : i32
        %parallel_loop3A_246 = arith.index_cast %parallel_loop3A_245 : i32 to index
        %parallel_loop3A_247 = arith.constant 0 : index
        %parallel_loop3A_248 = tpu.vector_load %arg9[%parallel_loop3A_246, %parallel_loop3A_247] {strides = array<i32>} : memref<512x64xf32, #tpu.memory_space<vmem>>, vector<1x16xf32>,
        %parallel_loop3A_249 = vector.shape_cast %parallel_loop3A_248 : vector<1x16xf32> to vector<16xf32>
        %parallel_loop3A_250 = arith.addf %parallel_loop3A_242, %parallel_loop3A_249 : vector<16xf32>
        %parallel_loop3A_251 = arith.constant 0 : i32
        %parallel_loop3A_252 = arith.index_cast %parallel_loop3A_251 : i32 to index
        %parallel_loop3A_253 = arith.index_cast %parallel_loop3A_232 : i32 to index
        %parallel_loop3A_254 = arith.constant 0 : index
        %parallel_loop3A_255 = tpu.vector_load %arg8[%parallel_loop3A_252, %parallel_loop3A_253, %parallel_loop3A_254] {strides = array<i32>} : memref<2x128x128xf32, #tpu.memory_space<vmem>>, vector<1x1x16xf32>,
        %parallel_loop3A_256 = vector.shape_cast %parallel_loop3A_255 : vector<1x1x16xf32> to vector<16xf32>
        %parallel_loop3A_257 = vector.shape_cast %parallel_loop3A_250 : vector<16xf32> to vector<1x1x16xf32>
        tpu.vector_store %arg8[%parallel_loop3A_252, %parallel_loop3A_253, %parallel_loop3A_254], %parallel_loop3A_257 {strides = array<i32>} : memref<2x128x128xf32, #tpu.memory_space<vmem>>, vector<1x1x16xf32>,
        %parallel_loop3A_258 = arith.constant 0 : i32
        %parallel_loop3A_259 = arith.addi %parallel_loop3A_234, %parallel_loop3A_258 : i32
        %parallel_loop3A_260 = arith.constant 0 : i32
        %parallel_loop3A_261 = arith.index_cast %parallel_loop3A_260 : i32 to index
        %parallel_loop3A_262 = arith.index_cast %parallel_loop3A_259 : i32 to index
        %parallel_loop3A_263 = arith.constant 16 : index
        %parallel_loop3A_264 = tpu.vector_load %arg7[%parallel_loop3A_261, %parallel_loop3A_262, %parallel_loop3A_263] {strides = array<i32>} : memref<2x256x64xf32, #tpu.memory_space<vmem>>, vector<1x1x16xf32>,
        %parallel_loop3A_265 = vector.shape_cast %parallel_loop3A_264 : vector<1x1x16xf32> to vector<16xf32>
        %parallel_loop3A_266 = arith.addi %rem3A_122, %parallel_loop3A_234 : i32
        %parallel_loop3A_267 = arith.constant 0 : i32
        %parallel_loop3A_268 = arith.addi %parallel_loop3A_266, %parallel_loop3A_267 : i32
        %parallel_loop3A_269 = arith.index_cast %parallel_loop3A_268 : i32 to index
        %parallel_loop3A_270 = arith.constant 16 : index
        %parallel_loop3A_271 = tpu.vector_load %arg9[%parallel_loop3A_269, %parallel_loop3A_270] {strides = array<i32>} : memref<512x64xf32, #tpu.memory_space<vmem>>, vector<1x16xf32>,
        %parallel_loop3A_272 = vector.shape_cast %parallel_loop3A_271 : vector<1x16xf32> to vector<16xf32>
        %parallel_loop3A_273 = arith.addf %parallel_loop3A_265, %parallel_loop3A_272 : vector<16xf32>
        %parallel_loop3A_274 = arith.constant 0 : i32
        %parallel_loop3A_275 = arith.index_cast %parallel_loop3A_274 : i32 to index
        %parallel_loop3A_276 = arith.index_cast %parallel_loop3A_232 : i32 to index
        %parallel_loop3A_277 = arith.constant 16 : index
        %parallel_loop3A_278 = tpu.vector_load %arg8[%parallel_loop3A_275, %parallel_loop3A_276, %parallel_loop3A_277] {strides = array<i32>} : memref<2x128x128xf32, #tpu.memory_space<vmem>>, vector<1x1x16xf32>,
        %parallel_loop3A_279 = vector.shape_cast %parallel_loop3A_278 : vector<1x1x16xf32> to vector<16xf32>
        %parallel_loop3A_280 = vector.shape_cast %parallel_loop3A_273 : vector<16xf32> to vector<1x1x16xf32>
        tpu.vector_store %arg8[%parallel_loop3A_275, %parallel_loop3A_276, %parallel_loop3A_277], %parallel_loop3A_280 {strides = array<i32>} : memref<2x128x128xf32, #tpu.memory_space<vmem>>, vector<1x1x16xf32>,
        %parallel_loop3A_281 = arith.constant 0 : i32
        %parallel_loop3A_282 = arith.addi %parallel_loop3A_234, %parallel_loop3A_281 : i32
        %parallel_loop3A_283 = arith.constant 0 : i32
        %parallel_loop3A_284 = arith.index_cast %parallel_loop3A_283 : i32 to index
        %parallel_loop3A_285 = arith.index_cast %parallel_loop3A_282 : i32 to index
        %parallel_loop3A_286 = arith.constant 32 : index
        %parallel_loop3A_287 = tpu.vector_load %arg7[%parallel_loop3A_284, %parallel_loop3A_285, %parallel_loop3A_286] {strides = array<i32>} : memref<2x256x64xf32, #tpu.memory_space<vmem>>, vector<1x1x16xf32>,
        %parallel_loop3A_288 = vector.shape_cast %parallel_loop3A_287 : vector<1x1x16xf32> to vector<16xf32>
        %parallel_loop3A_289 = arith.addi %rem3A_122, %parallel_loop3A_234 : i32
        %parallel_loop3A_290 = arith.constant 0 : i32
        %parallel_loop3A_291 = arith.addi %parallel_loop3A_289, %parallel_loop3A_290 : i32
        %parallel_loop3A_292 = arith.index_cast %parallel_loop3A_291 : i32 to index
        %parallel_loop3A_293 = arith.constant 32 : index
        %parallel_loop3A_294 = tpu.vector_load %arg9[%parallel_loop3A_292, %parallel_loop3A_293] {strides = array<i32>} : memref<512x64xf32, #tpu.memory_space<vmem>>, vector<1x16xf32>,
        %parallel_loop3A_295 = vector.shape_cast %parallel_loop3A_294 : vector<1x16xf32> to vector<16xf32>
        %parallel_loop3A_296 = arith.addf %parallel_loop3A_288, %parallel_loop3A_295 : vector<16xf32>
        %parallel_loop3A_297 = arith.constant 0 : i32
        %parallel_loop3A_298 = arith.index_cast %parallel_loop3A_297 : i32 to index
        %parallel_loop3A_299 = arith.index_cast %parallel_loop3A_232 : i32 to index
        %parallel_loop3A_300 = arith.constant 32 : index
        %parallel_loop3A_301 = tpu.vector_load %arg8[%parallel_loop3A_298, %parallel_loop3A_299, %parallel_loop3A_300] {strides = array<i32>} : memref<2x128x128xf32, #tpu.memory_space<vmem>>, vector<1x1x16xf32>,
        %parallel_loop3A_302 = vector.shape_cast %parallel_loop3A_301 : vector<1x1x16xf32> to vector<16xf32>
        %parallel_loop3A_303 = vector.shape_cast %parallel_loop3A_296 : vector<16xf32> to vector<1x1x16xf32>
        tpu.vector_store %arg8[%parallel_loop3A_298, %parallel_loop3A_299, %parallel_loop3A_300], %parallel_loop3A_303 {strides = array<i32>} : memref<2x128x128xf32, #tpu.memory_space<vmem>>, vector<1x1x16xf32>,
        %parallel_loop3A_304 = arith.constant 0 : i32
        %parallel_loop3A_305 = arith.addi %parallel_loop3A_234, %parallel_loop3A_304 : i32
        %parallel_loop3A_306 = arith.constant 0 : i32
        %parallel_loop3A_307 = arith.index_cast %parallel_loop3A_306 : i32 to index
        %parallel_loop3A_308 = arith.index_cast %parallel_loop3A_305 : i32 to index
        %parallel_loop3A_309 = arith.constant 48 : index
        %parallel_loop3A_310 = tpu.vector_load %arg7[%parallel_loop3A_307, %parallel_loop3A_308, %parallel_loop3A_309] {strides = array<i32>} : memref<2x256x64xf32, #tpu.memory_space<vmem>>, vector<1x1x16xf32>,
        %parallel_loop3A_311 = vector.shape_cast %parallel_loop3A_310 : vector<1x1x16xf32> to vector<16xf32>
        %parallel_loop3A_312 = arith.addi %rem3A_122, %parallel_loop3A_234 : i32
        %parallel_loop3A_313 = arith.constant 0 : i32
        %parallel_loop3A_314 = arith.addi %parallel_loop3A_312, %parallel_loop3A_313 : i32
        %parallel_loop3A_315 = arith.index_cast %parallel_loop3A_314 : i32 to index
        %parallel_loop3A_316 = arith.constant 48 : index
        %parallel_loop3A_317 = tpu.vector_load %arg9[%parallel_loop3A_315, %parallel_loop3A_316] {strides = array<i32>} : memref<512x64xf32, #tpu.memory_space<vmem>>, vector<1x16xf32>,
        %parallel_loop3A_318 = vector.shape_cast %parallel_loop3A_317 : vector<1x16xf32> to vector<16xf32>
        %parallel_loop3A_319 = arith.addf %parallel_loop3A_311, %parallel_loop3A_318 : vector<16xf32>
        %parallel_loop3A_320 = arith.constant 0 : i32
        %parallel_loop3A_321 = arith.index_cast %parallel_loop3A_320 : i32 to index
        %parallel_loop3A_322 = arith.index_cast %parallel_loop3A_232 : i32 to index
        %parallel_loop3A_323 = arith.constant 48 : index
        %parallel_loop3A_324 = tpu.vector_load %arg8[%parallel_loop3A_321, %parallel_loop3A_322, %parallel_loop3A_323] {strides = array<i32>} : memref<2x128x128xf32, #tpu.memory_space<vmem>>, vector<1x1x16xf32>,
        %parallel_loop3A_325 = vector.shape_cast %parallel_loop3A_324 : vector<1x1x16xf32> to vector<16xf32>
        %parallel_loop3A_326 = vector.shape_cast %parallel_loop3A_319 : vector<16xf32> to vector<1x1x16xf32>
        tpu.vector_store %arg8[%parallel_loop3A_321, %parallel_loop3A_322, %parallel_loop3A_323], %parallel_loop3A_326 {strides = array<i32>} : memref<2x128x128xf32, #tpu.memory_space<vmem>>, vector<1x1x16xf32>,
        %parallel_loop3A_327 = arith.constant 1 : i32
        %parallel_loop3A_328 = arith.addi %parallel_loop3A_234, %parallel_loop3A_327 : i32
        %parallel_loop3A_329 = arith.constant 0 : i32
        %parallel_loop3A_330 = arith.index_cast %parallel_loop3A_329 : i32 to index
        %parallel_loop3A_331 = arith.index_cast %parallel_loop3A_328 : i32 to index
        %parallel_loop3A_332 = arith.constant 0 : index
        %parallel_loop3A_333 = tpu.vector_load %arg7[%parallel_loop3A_330, %parallel_loop3A_331, %parallel_loop3A_332] {strides = array<i32>} : memref<2x256x64xf32, #tpu.memory_space<vmem>>, vector<1x1x16xf32>,
        %parallel_loop3A_334 = vector.shape_cast %parallel_loop3A_333 : vector<1x1x16xf32> to vector<16xf32>
        %parallel_loop3A_335 = arith.addi %rem3A_122, %parallel_loop3A_234 : i32
        %parallel_loop3A_336 = arith.constant 1 : i32
        %parallel_loop3A_337 = arith.addi %parallel_loop3A_335, %parallel_loop3A_336 : i32
        %parallel_loop3A_338 = arith.index_cast %parallel_loop3A_337 : i32 to index
        %parallel_loop3A_339 = arith.constant 0 : index
        %parallel_loop3A_340 = tpu.vector_load %arg9[%parallel_loop3A_338, %parallel_loop3A_339] {strides = array<i32>} : memref<512x64xf32, #tpu.memory_space<vmem>>, vector<1x16xf32>,
        %parallel_loop3A_341 = vector.shape_cast %parallel_loop3A_340 : vector<1x16xf32> to vector<16xf32>
        %parallel_loop3A_342 = arith.addf %parallel_loop3A_334, %parallel_loop3A_341 : vector<16xf32>
        %parallel_loop3A_343 = arith.constant 0 : i32
        %parallel_loop3A_344 = arith.index_cast %parallel_loop3A_343 : i32 to index
        %parallel_loop3A_345 = arith.index_cast %parallel_loop3A_232 : i32 to index
        %parallel_loop3A_346 = arith.constant 64 : index
        %parallel_loop3A_347 = tpu.vector_load %arg8[%parallel_loop3A_344, %parallel_loop3A_345, %parallel_loop3A_346] {strides = array<i32>} : memref<2x128x128xf32, #tpu.memory_space<vmem>>, vector<1x1x16xf32>,
        %parallel_loop3A_348 = vector.shape_cast %parallel_loop3A_347 : vector<1x1x16xf32> to vector<16xf32>
        %parallel_loop3A_349 = vector.shape_cast %parallel_loop3A_342 : vector<16xf32> to vector<1x1x16xf32>
        tpu.vector_store %arg8[%parallel_loop3A_344, %parallel_loop3A_345, %parallel_loop3A_346], %parallel_loop3A_349 {strides = array<i32>} : memref<2x128x128xf32, #tpu.memory_space<vmem>>, vector<1x1x16xf32>,
        %parallel_loop3A_350 = arith.constant 1 : i32
        %parallel_loop3A_351 = arith.addi %parallel_loop3A_234, %parallel_loop3A_350 : i32
        %parallel_loop3A_352 = arith.constant 0 : i32
        %parallel_loop3A_353 = arith.index_cast %parallel_loop3A_352 : i32 to index
        %parallel_loop3A_354 = arith.index_cast %parallel_loop3A_351 : i32 to index
        %parallel_loop3A_355 = arith.constant 16 : index
        %parallel_loop3A_356 = tpu.vector_load %arg7[%parallel_loop3A_353, %parallel_loop3A_354, %parallel_loop3A_355] {strides = array<i32>} : memref<2x256x64xf32, #tpu.memory_space<vmem>>, vector<1x1x16xf32>,
        %parallel_loop3A_357 = vector.shape_cast %parallel_loop3A_356 : vector<1x1x16xf32> to vector<16xf32>
        %parallel_loop3A_358 = arith.addi %rem3A_122, %parallel_loop3A_234 : i32
        %parallel_loop3A_359 = arith.constant 1 : i32
        %parallel_loop3A_360 = arith.addi %parallel_loop3A_358, %parallel_loop3A_359 : i32
        %parallel_loop3A_361 = arith.index_cast %parallel_loop3A_360 : i32 to index
        %parallel_loop3A_362 = arith.constant 16 : index
        %parallel_loop3A_363 = tpu.vector_load %arg9[%parallel_loop3A_361, %parallel_loop3A_362] {strides = array<i32>} : memref<512x64xf32, #tpu.memory_space<vmem>>, vector<1x16xf32>,
        %parallel_loop3A_364 = vector.shape_cast %parallel_loop3A_363 : vector<1x16xf32> to vector<16xf32>
        %parallel_loop3A_365 = arith.addf %parallel_loop3A_357, %parallel_loop3A_364 : vector<16xf32>
        %parallel_loop3A_366 = arith.constant 0 : i32
        %parallel_loop3A_367 = arith.index_cast %parallel_loop3A_366 : i32 to index
        %parallel_loop3A_368 = arith.index_cast %parallel_loop3A_232 : i32 to index
        %parallel_loop3A_369 = arith.constant 80 : index
        %parallel_loop3A_370 = tpu.vector_load %arg8[%parallel_loop3A_367, %parallel_loop3A_368, %parallel_loop3A_369] {strides = array<i32>} : memref<2x128x128xf32, #tpu.memory_space<vmem>>, vector<1x1x16xf32>,
        %parallel_loop3A_371 = vector.shape_cast %parallel_loop3A_370 : vector<1x1x16xf32> to vector<16xf32>
        %parallel_loop3A_372 = vector.shape_cast %parallel_loop3A_365 : vector<16xf32> to vector<1x1x16xf32>
        tpu.vector_store %arg8[%parallel_loop3A_367, %parallel_loop3A_368, %parallel_loop3A_369], %parallel_loop3A_372 {strides = array<i32>} : memref<2x128x128xf32, #tpu.memory_space<vmem>>, vector<1x1x16xf32>,
        %parallel_loop3A_373 = arith.constant 1 : i32
        %parallel_loop3A_374 = arith.addi %parallel_loop3A_234, %parallel_loop3A_373 : i32
        %parallel_loop3A_375 = arith.constant 0 : i32
        %parallel_loop3A_376 = arith.index_cast %parallel_loop3A_375 : i32 to index
        %parallel_loop3A_377 = arith.index_cast %parallel_loop3A_374 : i32 to index
        %parallel_loop3A_378 = arith.constant 32 : index
        %parallel_loop3A_379 = tpu.vector_load %arg7[%parallel_loop3A_376, %parallel_loop3A_377, %parallel_loop3A_378] {strides = array<i32>} : memref<2x256x64xf32, #tpu.memory_space<vmem>>, vector<1x1x16xf32>,
        %parallel_loop3A_380 = vector.shape_cast %parallel_loop3A_379 : vector<1x1x16xf32> to vector<16xf32>
        %parallel_loop3A_381 = arith.addi %rem3A_122, %parallel_loop3A_234 : i32
        %parallel_loop3A_382 = arith.constant 1 : i32
        %parallel_loop3A_383 = arith.addi %parallel_loop3A_381, %parallel_loop3A_382 : i32
        %parallel_loop3A_384 = arith.index_cast %parallel_loop3A_383 : i32 to index
        %parallel_loop3A_385 = arith.constant 32 : index
        %parallel_loop3A_386 = tpu.vector_load %arg9[%parallel_loop3A_384, %parallel_loop3A_385] {strides = array<i32>} : memref<512x64xf32, #tpu.memory_space<vmem>>, vector<1x16xf32>,
        %parallel_loop3A_387 = vector.shape_cast %parallel_loop3A_386 : vector<1x16xf32> to vector<16xf32>
        %parallel_loop3A_388 = arith.addf %parallel_loop3A_380, %parallel_loop3A_387 : vector<16xf32>
        %parallel_loop3A_389 = arith.constant 0 : i32
        %parallel_loop3A_390 = arith.index_cast %parallel_loop3A_389 : i32 to index
        %parallel_loop3A_391 = arith.index_cast %parallel_loop3A_232 : i32 to index
        %parallel_loop3A_392 = arith.constant 96 : index
        %parallel_loop3A_393 = tpu.vector_load %arg8[%parallel_loop3A_390, %parallel_loop3A_391, %parallel_loop3A_392] {strides = array<i32>} : memref<2x128x128xf32, #tpu.memory_space<vmem>>, vector<1x1x16xf32>,
        %parallel_loop3A_394 = vector.shape_cast %parallel_loop3A_393 : vector<1x1x16xf32> to vector<16xf32>
        %parallel_loop3A_395 = vector.shape_cast %parallel_loop3A_388 : vector<16xf32> to vector<1x1x16xf32>
        tpu.vector_store %arg8[%parallel_loop3A_390, %parallel_loop3A_391, %parallel_loop3A_392], %parallel_loop3A_395 {strides = array<i32>} : memref<2x128x128xf32, #tpu.memory_space<vmem>>, vector<1x1x16xf32>,
        %parallel_loop3A_396 = arith.constant 1 : i32
        %parallel_loop3A_397 = arith.addi %parallel_loop3A_234, %parallel_loop3A_396 : i32
        %parallel_loop3A_398 = arith.constant 0 : i32
        %parallel_loop3A_399 = arith.index_cast %parallel_loop3A_398 : i32 to index
        %parallel_loop3A_400 = arith.index_cast %parallel_loop3A_397 : i32 to index
        %parallel_loop3A_401 = arith.constant 48 : index
        %parallel_loop3A_402 = tpu.vector_load %arg7[%parallel_loop3A_399, %parallel_loop3A_400, %parallel_loop3A_401] {strides = array<i32>} : memref<2x256x64xf32, #tpu.memory_space<vmem>>, vector<1x1x16xf32>,
        %parallel_loop3A_403 = vector.shape_cast %parallel_loop3A_402 : vector<1x1x16xf32> to vector<16xf32>
        %parallel_loop3A_404 = arith.addi %rem3A_122, %parallel_loop3A_234 : i32
        %parallel_loop3A_405 = arith.constant 1 : i32
        %parallel_loop3A_406 = arith.addi %parallel_loop3A_404, %parallel_loop3A_405 : i32
        %parallel_loop3A_407 = arith.index_cast %parallel_loop3A_406 : i32 to index
        %parallel_loop3A_408 = arith.constant 48 : index
        %parallel_loop3A_409 = tpu.vector_load %arg9[%parallel_loop3A_407, %parallel_loop3A_408] {strides = array<i32>} : memref<512x64xf32, #tpu.memory_space<vmem>>, vector<1x16xf32>,
        %parallel_loop3A_410 = vector.shape_cast %parallel_loop3A_409 : vector<1x16xf32> to vector<16xf32>
        %parallel_loop3A_411 = arith.addf %parallel_loop3A_403, %parallel_loop3A_410 : vector<16xf32>
        %parallel_loop3A_412 = arith.constant 0 : i32
        %parallel_loop3A_413 = arith.index_cast %parallel_loop3A_412 : i32 to index
        %parallel_loop3A_414 = arith.index_cast %parallel_loop3A_232 : i32 to index
        %parallel_loop3A_415 = arith.constant 112 : index
        %parallel_loop3A_416 = tpu.vector_load %arg8[%parallel_loop3A_413, %parallel_loop3A_414, %parallel_loop3A_415] {strides = array<i32>} : memref<2x128x128xf32, #tpu.memory_space<vmem>>, vector<1x1x16xf32>,
        %parallel_loop3A_417 = vector.shape_cast %parallel_loop3A_416 : vector<1x1x16xf32> to vector<16xf32>
        %parallel_loop3A_418 = vector.shape_cast %parallel_loop3A_411 : vector<16xf32> to vector<1x1x16xf32>
        tpu.vector_store %arg8[%parallel_loop3A_413, %parallel_loop3A_414, %parallel_loop3A_415], %parallel_loop3A_418 {strides = array<i32>} : memref<2x128x128xf32, #tpu.memory_space<vmem>>, vector<1x1x16xf32>,
      } {sc.loop_unroll_factor = 4 : i64, sc.parallel_access}
      %mul3A_125 = arith.constant 256 : i32
      %mul3A_126 = arith.muli %add3A_66, %mul3A_125 : i32
      %add3A_127 = arith.addi %mul3A_2, %mul3A_126 : i32
      %jit3A = arith.constant 2 : i32
      %div3A = arith.divsi %add3A_127, %jit3A : i32
      %sign3A = arith.constant 0 : i32
      %sign3A_128 = arith.cmpi sgt, %add3A_127, %sign3A : i32
      %sign3A_129 = arith.extui %sign3A_128 : i1 to i32
      %sign3A_130 = arith.constant 0 : i32
      %sign3A_131 = arith.cmpi slt, %add3A_127, %sign3A_130 : i32
      %sign3A_132 = arith.extui %sign3A_131 : i1 to i32
      %sign3A_133 = arith.subi %sign3A_129, %sign3A_132 : i32
      %sign3A_134 = arith.constant 0 : i32
      %sign3A_135 = arith.cmpi sgt, %jit3A, %sign3A_134 : i32
      %sign3A_136 = arith.extui %sign3A_135 : i1 to i32
      %sign3A_137 = arith.constant 0 : i32
      %sign3A_138 = arith.cmpi slt, %jit3A, %sign3A_137 : i32
      %sign3A_139 = arith.extui %sign3A_138 : i1 to i32
      %sign3A_140 = arith.subi %sign3A_136, %sign3A_139 : i32
      %ne3A = arith.cmpi ne, %sign3A_133, %sign3A_140 : i32
      %rem3A_141 = arith.remsi %add3A_127, %jit3A : i32
      %ne3A_142 = arith.constant 0 : i32
      %ne3A_143 = arith.cmpi ne, %rem3A_141, %ne3A_142 : i32
      %and3A = arith.andi %ne3A, %ne3A_143 : i1
      %sub3A = arith.constant 1 : i32
      %sub3A_144 = arith.subi %div3A, %sub3A : i32
      %select_n3A = arith.select %and3A, %sub3A_144, %div3A : i32
      %multiple_of3A_145 = tpu.assume_multiple %select_n3A, 128 : i32
      %dma_start3A_146 = arith.constant 0 : i32
      %dma_start3A_147 = arith.constant 0 : i32
      %dma_start3A_148 = arith.constant 0 : i32
      %dma_start3A_149 = tpu.memref_slice %arg8[%dma_start3A_146, %dma_start3A_147, %dma_start3A_148] : memref<2x128x128xf32, #tpu.memory_space<vmem>> -> memref<1x128x128xf32, #tpu.memory_space<vmem>>
      %dma_start3A_150 = tpu.memref_squeeze %dma_start3A_149 : memref<1x128x128xf32, #tpu.memory_space<vmem>> -> memref<128x128xf32, #tpu.memory_space<vmem>>
      %dma_start3A_151 = arith.constant 0 : i32
      %dma_start3A_152 = tpu.memref_slice %arg5[%multiple_of3A_145, %dma_start3A_151] : memref<409600x128xf32, #tpu.memory_space<hbm>> -> memref<128x128xf32, #tpu.memory_space<hbm>>
      %dma_start3A_153 = arith.constant 0 : i32
      %dma_start3A_154 = tpu.memref_slice %arg5[%multiple_of3A_145, %dma_start3A_153] : memref<409600x128xf32, #tpu.memory_space<hbm>> -> memref<128x128xf32, #tpu.memory_space<hbm>>
      %dma_start3A_155 = arith.constant 0 : i32
      %dma_start3A_156 = arith.constant 0 : i32
      %dma_start3A_157 = tpu.memref_slice %arg8[%dma_start3A_146, %dma_start3A_155, %dma_start3A_156] : memref<2x128x128xf32, #tpu.memory_space<vmem>> -> memref<1x128x128xf32, #tpu.memory_space<vmem>>
      %dma_start3A_158 = tpu.memref_squeeze %dma_start3A_157 : memref<1x128x128xf32, #tpu.memory_space<vmem>> -> memref<128x128xf32, #tpu.memory_space<vmem>>
      tpu.enqueue_dma source(%dma_start3A_158 : memref<128x128xf32, #tpu.memory_space<vmem>>) target(%dma_start3A_154 : memref<128x128xf32, #tpu.memory_space<hbm>>) target_semaphore(%arg12 : memref<!tpu.dma_semaphore, #tpu.memory_space<semaphore_mem>>)
      %mul3A_159 = arith.constant 2 : i32
      %mul3A_160 = arith.muli %scan3A_62, %mul3A_159 : i32
      %add3A_161 = arith.constant 1 : i32
      %add3A_162 = arith.addi %mul3A_160, %add3A_161 : i32
      %dma_wait3A_163 = arith.constant 1 : i32
      %dma_wait3A_164 = arith.constant 0 : i32
      %dma_wait3A_165 = arith.constant 0 : i32
      %dma_wait3A_166 = tpu.memref_slice %arg7[%dma_wait3A_163, %dma_wait3A_164, %dma_wait3A_165] : memref<2x256x64xf32, #tpu.memory_space<vmem>> -> memref<1x256x64xf32, #tpu.memory_space<vmem>>
      %dma_wait3A_167 = tpu.memref_squeeze %dma_wait3A_166 : memref<1x256x64xf32, #tpu.memory_space<vmem>> -> memref<256x64xf32, #tpu.memory_space<vmem>>
      %dma_wait3A_168 = arith.constant 0 : i32
      %dma_wait3A_169 = arith.constant 0 : i32
      %dma_wait3A_170 = tpu.memref_slice %arg3[%dma_wait3A_168, %dma_wait3A_169] : memref<100000x64xf32, #tpu.memory_space<hbm>> -> memref<256x64xf32, #tpu.memory_space<hbm>>
      %dma_wait3A_171 = arith.constant 0 : i32
      %dma_wait3A_172 = arith.constant 0 : i32
      %dma_wait3A_173 = tpu.memref_slice %arg7[%dma_wait3A_163, %dma_wait3A_171, %dma_wait3A_172] : memref<2x256x64xf32, #tpu.memory_space<vmem>> -> memref<1x256x64xf32, #tpu.memory_space<vmem>>
      %dma_wait3A_174 = tpu.memref_squeeze %dma_wait3A_173 : memref<1x256x64xf32, #tpu.memory_space<vmem>> -> memref<256x64xf32, #tpu.memory_space<vmem>>
      %dma_wait3A_175 = arith.constant 0 : i32
      %dma_wait3A_176 = arith.constant 0 : i32
      %dma_wait3A_177 = tpu.memref_slice %arg3[%dma_wait3A_175, %dma_wait3A_176] : memref<100000x64xf32, #tpu.memory_space<hbm>> -> memref<256x64xf32, #tpu.memory_space<hbm>>
      tpu.wait_dma2 semaphore(%arg11 : memref<!tpu.dma_semaphore, #tpu.memory_space<semaphore_mem>>) src(%dma_wait3A_177 : memref<256x64xf32, #tpu.memory_space<hbm>>) dst(%dma_wait3A_174 : memref<256x64xf32, #tpu.memory_space<vmem>>)
      %add3A_178 = arith.constant 1 : i32
      %add3A_179 = arith.addi %scan3A_62, %add3A_178 : i32
      %lt3A = arith.constant 50 : i32
      %lt3A_180 = arith.cmpi slt, %add3A_179, %lt3A : i32
      %convert_element_type3A_181 = arith.extui %lt3A_180 : i1 to i32
      %cond3A_182 = arith.constant 0 : i32
      %cond3A_183 = arith.cmpi ne, %convert_element_type3A_181, %cond3A_182 : i32
      scf.if %cond3A_183 {
        %dma_wait3A_232 = arith.constant 0 : i32
        %dma_wait3A_233 = arith.constant 0 : i32
        %dma_wait3A_234 = arith.constant 0 : i32
        %dma_wait3A_235 = tpu.memref_slice %arg8[%dma_wait3A_232, %dma_wait3A_233, %dma_wait3A_234] : memref<2x128x128xf32, #tpu.memory_space<vmem>> -> memref<1x128x128xf32, #tpu.memory_space<vmem>>
        %dma_wait3A_236 = tpu.memref_squeeze %dma_wait3A_235 : memref<1x128x128xf32, #tpu.memory_space<vmem>> -> memref<128x128xf32, #tpu.memory_space<vmem>>
        %dma_wait3A_237 = arith.constant 0 : i32
        %dma_wait3A_238 = arith.constant 0 : i32
        %dma_wait3A_239 = tpu.memref_slice %arg5[%dma_wait3A_237, %dma_wait3A_238] : memref<409600x128xf32, #tpu.memory_space<hbm>> -> memref<128x128xf32, #tpu.memory_space<hbm>>
        %dma_wait3A_240 = arith.constant 0 : i32
        %dma_wait3A_241 = arith.constant 0 : i32
        %dma_wait3A_242 = tpu.memref_slice %arg5[%dma_wait3A_240, %dma_wait3A_241] : memref<409600x128xf32, #tpu.memory_space<hbm>> -> memref<128x128xf32, #tpu.memory_space<hbm>>
        %dma_wait3A_243 = arith.constant 0 : i32
        %dma_wait3A_244 = arith.constant 0 : i32
        %dma_wait3A_245 = tpu.memref_slice %arg8[%dma_wait3A_232, %dma_wait3A_243, %dma_wait3A_244] : memref<2x128x128xf32, #tpu.memory_space<vmem>> -> memref<1x128x128xf32, #tpu.memory_space<vmem>>
        %dma_wait3A_246 = tpu.memref_squeeze %dma_wait3A_245 : memref<1x128x128xf32, #tpu.memory_space<vmem>> -> memref<128x128xf32, #tpu.memory_space<vmem>>
        tpu.wait_dma2 semaphore(%arg12 : memref<!tpu.dma_semaphore, #tpu.memory_space<semaphore_mem>>) src(%dma_wait3A_246 : memref<128x128xf32, #tpu.memory_space<vmem>>) dst(%dma_wait3A_242 : memref<128x128xf32, #tpu.memory_space<hbm>>)
        %add3A_247 = arith.constant 1 : i32
        %add3A_248 = arith.addi %scan3A_62, %add3A_247 : i32
        %mul3A_249 = arith.constant 2 : i32
        %mul3A_250 = arith.muli %add3A_248, %mul3A_249 : i32
        %add3A_251 = arith.constant 0 : i32
        %add3A_252 = arith.addi %mul3A_250, %add3A_251 : i32
        %mul3A_253 = arith.constant 2 : i32
        %mul3A_254 = arith.muli %add3A_252, %mul3A_253 : i32
        %add3A_255 = arith.constant 0 : i32
        %add3A_256 = arith.addi %mul3A_254, %add3A_255 : i32
        %dma_start3A_257 = arith.constant 0 : i32
        %dma_start3A_258 = arith.constant 0 : i32
        %dma_start3A_259 = arith.constant 0 : i32
        %dma_start3A_260 = tpu.memref_slice %arg7[%dma_start3A_257, %dma_start3A_258, %dma_start3A_259] : memref<2x256x64xf32, #tpu.memory_space<vmem>> -> memref<1x128x64xf32, #tpu.memory_space<vmem>>
        %dma_start3A_261 = tpu.memref_squeeze %dma_start3A_260 : memref<1x128x64xf32, #tpu.memory_space<vmem>> -> memref<128x64xf32, #tpu.memory_space<vmem>>
        %dma_start3A_262 = arith.constant 0 : i32
        %dma_start3A_263 = tpu.memref_slice %arg6[%add3A_256, %dma_start3A_262] : memref<200x128xi32, #tpu.memory_space<vmem>> -> memref<1x128xi32, #tpu.memory_space<vmem>>
        %dma_start3A_264 = tpu.memref_squeeze %dma_start3A_263 : memref<1x128xi32, #tpu.memory_space<vmem>> -> memref<128xi32, #tpu.memory_space<vmem>>
        %dma_start3A_265 = arith.constant 0 : i32
        %dma_start3A_266 = arith.constant 0 : i32
        %dma_start3A_267 = tpu.memref_slice %arg3[%dma_start3A_265, %dma_start3A_266] : memref<100000x64xf32, #tpu.memory_space<hbm>> -> memref<100000x64xf32, #tpu.memory_space<hbm>>
        tpu.enqueue_indirect_dma source(%dma_start3A_267 : memref<100000x64xf32, #tpu.memory_space<hbm>>) target(%dma_start3A_261 : memref<128x64xf32, #tpu.memory_space<vmem>>) offsets(%dma_start3A_264 : memref<128xi32, #tpu.memory_space<vmem>>) semaphore(%arg10 : memref<!tpu.dma_semaphore, #tpu.memory_space<semaphore_mem>>)
        %mul3A_268 = arith.constant 2 : i32
        %mul3A_269 = arith.muli %add3A_252, %mul3A_268 : i32
        %add3A_270 = arith.constant 1 : i32
        %add3A_271 = arith.addi %mul3A_269, %add3A_270 : i32
        %dma_start3A_272 = arith.constant 0 : i32
        %dma_start3A_273 = arith.constant 128 : i32
        %dma_start3A_274 = arith.constant 0 : i32
        %dma_start3A_275 = tpu.memref_slice %arg7[%dma_start3A_272, %dma_start3A_273, %dma_start3A_274] : memref<2x256x64xf32, #tpu.memory_space<vmem>> -> memref<1x128x64xf32, #tpu.memory_space<vmem>>
        %dma_start3A_276 = tpu.memref_squeeze %dma_start3A_275 : memref<1x128x64xf32, #tpu.memory_space<vmem>> -> memref<128x64xf32, #tpu.memory_space<vmem>>
        %dma_start3A_277 = arith.constant 0 : i32
        %dma_start3A_278 = tpu.memref_slice %arg6[%add3A_271, %dma_start3A_277] : memref<200x128xi32, #tpu.memory_space<vmem>> -> memref<1x128xi32, #tpu.memory_space<vmem>>
        %dma_start3A_279 = tpu.memref_squeeze %dma_start3A_278 : memref<1x128xi32, #tpu.memory_space<vmem>> -> memref<128xi32, #tpu.memory_space<vmem>>
        %dma_start3A_280 = arith.constant 0 : i32
        %dma_start3A_281 = arith.constant 0 : i32
        %dma_start3A_282 = tpu.memref_slice %arg3[%dma_start3A_280, %dma_start3A_281] : memref<100000x64xf32, #tpu.memory_space<hbm>> -> memref<100000x64xf32, #tpu.memory_space<hbm>>
        tpu.enqueue_indirect_dma source(%dma_start3A_282 : memref<100000x64xf32, #tpu.memory_space<hbm>>) target(%dma_start3A_276 : memref<128x64xf32, #tpu.memory_space<vmem>>) offsets(%dma_start3A_279 : memref<128xi32, #tpu.memory_space<vmem>>) semaphore(%arg10 : memref<!tpu.dma_semaphore, #tpu.memory_space<semaphore_mem>>)
      } else {
      }
      %mul3A_184 = arith.constant 256 : i32
      %mul3A_185 = arith.muli %add3A_162, %mul3A_184 : i32
      %rem3A_186 = arith.constant 200 : i32
      %rem3A_187 = arith.remsi %mul3A_185, %rem3A_186 : i32
      %parallel_loop3A_188 = arith.constant 0 : i32
      %parallel_loop3A_189 = arith.constant 128 : i32
      %parallel_loop3A_190 = arith.constant 1 : i32
      scf.for %parallel_loop3A_232 = %parallel_loop3A_188 to %parallel_loop3A_189 step %parallel_loop3A_190  : i32 {
        %parallel_loop3A_233 = arith.constant 2 : i32
        %parallel_loop3A_234 = arith.muli %parallel_loop3A_233, %parallel_loop3A_232 : i32
        %parallel_loop3A_235 = arith.constant 0 : i32
        %parallel_loop3A_236 = arith.addi %parallel_loop3A_234, %parallel_loop3A_235 : i32
        %parallel_loop3A_237 = arith.constant 1 : i32
        %parallel_loop3A_238 = arith.index_cast %parallel_loop3A_237 : i32 to index
        %parallel_loop3A_239 = arith.index_cast %parallel_loop3A_236 : i32 to index
        %parallel_loop3A_240 = arith.constant 0 : index
        %parallel_loop3A_241 = tpu.vector_load %arg7[%parallel_loop3A_238, %parallel_loop3A_239, %parallel_loop3A_240] {strides = array<i32>} : memref<2x256x64xf32, #tpu.memory_space<vmem>>, vector<1x1x16xf32>,
        %parallel_loop3A_242 = vector.shape_cast %parallel_loop3A_241 : vector<1x1x16xf32> to vector<16xf32>
        %parallel_loop3A_243 = arith.addi %rem3A_187, %parallel_loop3A_234 : i32
        %parallel_loop3A_244 = arith.constant 0 : i32
        %parallel_loop3A_245 = arith.addi %parallel_loop3A_243, %parallel_loop3A_244 : i32
        %parallel_loop3A_246 = arith.index_cast %parallel_loop3A_245 : i32 to index
        %parallel_loop3A_247 = arith.constant 0 : index
        %parallel_loop3A_248 = tpu.vector_load %arg9[%parallel_loop3A_246, %parallel_loop3A_247] {strides = array<i32>} : memref<512x64xf32, #tpu.memory_space<vmem>>, vector<1x16xf32>,
        %parallel_loop3A_249 = vector.shape_cast %parallel_loop3A_248 : vector<1x16xf32> to vector<16xf32>
        %parallel_loop3A_250 = arith.addf %parallel_loop3A_242, %parallel_loop3A_249 : vector<16xf32>
        %parallel_loop3A_251 = arith.constant 1 : i32
        %parallel_loop3A_252 = arith.index_cast %parallel_loop3A_251 : i32 to index
        %parallel_loop3A_253 = arith.index_cast %parallel_loop3A_232 : i32 to index
        %parallel_loop3A_254 = arith.constant 0 : index
        %parallel_loop3A_255 = tpu.vector_load %arg8[%parallel_loop3A_252, %parallel_loop3A_253, %parallel_loop3A_254] {strides = array<i32>} : memref<2x128x128xf32, #tpu.memory_space<vmem>>, vector<1x1x16xf32>,
        %parallel_loop3A_256 = vector.shape_cast %parallel_loop3A_255 : vector<1x1x16xf32> to vector<16xf32>
        %parallel_loop3A_257 = vector.shape_cast %parallel_loop3A_250 : vector<16xf32> to vector<1x1x16xf32>
        tpu.vector_store %arg8[%parallel_loop3A_252, %parallel_loop3A_253, %parallel_loop3A_254], %parallel_loop3A_257 {strides = array<i32>} : memref<2x128x128xf32, #tpu.memory_space<vmem>>, vector<1x1x16xf32>,
        %parallel_loop3A_258 = arith.constant 0 : i32
        %parallel_loop3A_259 = arith.addi %parallel_loop3A_234, %parallel_loop3A_258 : i32
        %parallel_loop3A_260 = arith.constant 1 : i32
        %parallel_loop3A_261 = arith.index_cast %parallel_loop3A_260 : i32 to index
        %parallel_loop3A_262 = arith.index_cast %parallel_loop3A_259 : i32 to index
        %parallel_loop3A_263 = arith.constant 16 : index
        %parallel_loop3A_264 = tpu.vector_load %arg7[%parallel_loop3A_261, %parallel_loop3A_262, %parallel_loop3A_263] {strides = array<i32>} : memref<2x256x64xf32, #tpu.memory_space<vmem>>, vector<1x1x16xf32>,
        %parallel_loop3A_265 = vector.shape_cast %parallel_loop3A_264 : vector<1x1x16xf32> to vector<16xf32>
        %parallel_loop3A_266 = arith.addi %rem3A_187, %parallel_loop3A_234 : i32
        %parallel_loop3A_267 = arith.constant 0 : i32
        %parallel_loop3A_268 = arith.addi %parallel_loop3A_266, %parallel_loop3A_267 : i32
        %parallel_loop3A_269 = arith.index_cast %parallel_loop3A_268 : i32 to index
        %parallel_loop3A_270 = arith.constant 16 : index
        %parallel_loop3A_271 = tpu.vector_load %arg9[%parallel_loop3A_269, %parallel_loop3A_270] {strides = array<i32>} : memref<512x64xf32, #tpu.memory_space<vmem>>, vector<1x16xf32>,
        %parallel_loop3A_272 = vector.shape_cast %parallel_loop3A_271 : vector<1x16xf32> to vector<16xf32>
        %parallel_loop3A_273 = arith.addf %parallel_loop3A_265, %parallel_loop3A_272 : vector<16xf32>
        %parallel_loop3A_274 = arith.constant 1 : i32
        %parallel_loop3A_275 = arith.index_cast %parallel_loop3A_274 : i32 to index
        %parallel_loop3A_276 = arith.index_cast %parallel_loop3A_232 : i32 to index
        %parallel_loop3A_277 = arith.constant 16 : index
        %parallel_loop3A_278 = tpu.vector_load %arg8[%parallel_loop3A_275, %parallel_loop3A_276, %parallel_loop3A_277] {strides = array<i32>} : memref<2x128x128xf32, #tpu.memory_space<vmem>>, vector<1x1x16xf32>,
        %parallel_loop3A_279 = vector.shape_cast %parallel_loop3A_278 : vector<1x1x16xf32> to vector<16xf32>
        %parallel_loop3A_280 = vector.shape_cast %parallel_loop3A_273 : vector<16xf32> to vector<1x1x16xf32>
        tpu.vector_store %arg8[%parallel_loop3A_275, %parallel_loop3A_276, %parallel_loop3A_277], %parallel_loop3A_280 {strides = array<i32>} : memref<2x128x128xf32, #tpu.memory_space<vmem>>, vector<1x1x16xf32>,
        %parallel_loop3A_281 = arith.constant 0 : i32
        %parallel_loop3A_282 = arith.addi %parallel_loop3A_234, %parallel_loop3A_281 : i32
        %parallel_loop3A_283 = arith.constant 1 : i32
        %parallel_loop3A_284 = arith.index_cast %parallel_loop3A_283 : i32 to index
        %parallel_loop3A_285 = arith.index_cast %parallel_loop3A_282 : i32 to index
        %parallel_loop3A_286 = arith.constant 32 : index
        %parallel_loop3A_287 = tpu.vector_load %arg7[%parallel_loop3A_284, %parallel_loop3A_285, %parallel_loop3A_286] {strides = array<i32>} : memref<2x256x64xf32, #tpu.memory_space<vmem>>, vector<1x1x16xf32>,
        %parallel_loop3A_288 = vector.shape_cast %parallel_loop3A_287 : vector<1x1x16xf32> to vector<16xf32>
        %parallel_loop3A_289 = arith.addi %rem3A_187, %parallel_loop3A_234 : i32
        %parallel_loop3A_290 = arith.constant 0 : i32
        %parallel_loop3A_291 = arith.addi %parallel_loop3A_289, %parallel_loop3A_290 : i32
        %parallel_loop3A_292 = arith.index_cast %parallel_loop3A_291 : i32 to index
        %parallel_loop3A_293 = arith.constant 32 : index
        %parallel_loop3A_294 = tpu.vector_load %arg9[%parallel_loop3A_292, %parallel_loop3A_293] {strides = array<i32>} : memref<512x64xf32, #tpu.memory_space<vmem>>, vector<1x16xf32>,
        %parallel_loop3A_295 = vector.shape_cast %parallel_loop3A_294 : vector<1x16xf32> to vector<16xf32>
        %parallel_loop3A_296 = arith.addf %parallel_loop3A_288, %parallel_loop3A_295 : vector<16xf32>
        %parallel_loop3A_297 = arith.constant 1 : i32
        %parallel_loop3A_298 = arith.index_cast %parallel_loop3A_297 : i32 to index
        %parallel_loop3A_299 = arith.index_cast %parallel_loop3A_232 : i32 to index
        %parallel_loop3A_300 = arith.constant 32 : index
        %parallel_loop3A_301 = tpu.vector_load %arg8[%parallel_loop3A_298, %parallel_loop3A_299, %parallel_loop3A_300] {strides = array<i32>} : memref<2x128x128xf32, #tpu.memory_space<vmem>>, vector<1x1x16xf32>,
        %parallel_loop3A_302 = vector.shape_cast %parallel_loop3A_301 : vector<1x1x16xf32> to vector<16xf32>
        %parallel_loop3A_303 = vector.shape_cast %parallel_loop3A_296 : vector<16xf32> to vector<1x1x16xf32>
        tpu.vector_store %arg8[%parallel_loop3A_298, %parallel_loop3A_299, %parallel_loop3A_300], %parallel_loop3A_303 {strides = array<i32>} : memref<2x128x128xf32, #tpu.memory_space<vmem>>, vector<1x1x16xf32>,
        %parallel_loop3A_304 = arith.constant 0 : i32
        %parallel_loop3A_305 = arith.addi %parallel_loop3A_234, %parallel_loop3A_304 : i32
        %parallel_loop3A_306 = arith.constant 1 : i32
        %parallel_loop3A_307 = arith.index_cast %parallel_loop3A_306 : i32 to index
        %parallel_loop3A_308 = arith.index_cast %parallel_loop3A_305 : i32 to index
        %parallel_loop3A_309 = arith.constant 48 : index
        %parallel_loop3A_310 = tpu.vector_load %arg7[%parallel_loop3A_307, %parallel_loop3A_308, %parallel_loop3A_309] {strides = array<i32>} : memref<2x256x64xf32, #tpu.memory_space<vmem>>, vector<1x1x16xf32>,
        %parallel_loop3A_311 = vector.shape_cast %parallel_loop3A_310 : vector<1x1x16xf32> to vector<16xf32>
        %parallel_loop3A_312 = arith.addi %rem3A_187, %parallel_loop3A_234 : i32
        %parallel_loop3A_313 = arith.constant 0 : i32
        %parallel_loop3A_314 = arith.addi %parallel_loop3A_312, %parallel_loop3A_313 : i32
        %parallel_loop3A_315 = arith.index_cast %parallel_loop3A_314 : i32 to index
        %parallel_loop3A_316 = arith.constant 48 : index
        %parallel_loop3A_317 = tpu.vector_load %arg9[%parallel_loop3A_315, %parallel_loop3A_316] {strides = array<i32>} : memref<512x64xf32, #tpu.memory_space<vmem>>, vector<1x16xf32>,
        %parallel_loop3A_318 = vector.shape_cast %parallel_loop3A_317 : vector<1x16xf32> to vector<16xf32>
        %parallel_loop3A_319 = arith.addf %parallel_loop3A_311, %parallel_loop3A_318 : vector<16xf32>
        %parallel_loop3A_320 = arith.constant 1 : i32
        %parallel_loop3A_321 = arith.index_cast %parallel_loop3A_320 : i32 to index
        %parallel_loop3A_322 = arith.index_cast %parallel_loop3A_232 : i32 to index
        %parallel_loop3A_323 = arith.constant 48 : index
        %parallel_loop3A_324 = tpu.vector_load %arg8[%parallel_loop3A_321, %parallel_loop3A_322, %parallel_loop3A_323] {strides = array<i32>} : memref<2x128x128xf32, #tpu.memory_space<vmem>>, vector<1x1x16xf32>,
        %parallel_loop3A_325 = vector.shape_cast %parallel_loop3A_324 : vector<1x1x16xf32> to vector<16xf32>
        %parallel_loop3A_326 = vector.shape_cast %parallel_loop3A_319 : vector<16xf32> to vector<1x1x16xf32>
        tpu.vector_store %arg8[%parallel_loop3A_321, %parallel_loop3A_322, %parallel_loop3A_323], %parallel_loop3A_326 {strides = array<i32>} : memref<2x128x128xf32, #tpu.memory_space<vmem>>, vector<1x1x16xf32>,
        %parallel_loop3A_327 = arith.constant 1 : i32
        %parallel_loop3A_328 = arith.addi %parallel_loop3A_234, %parallel_loop3A_327 : i32
        %parallel_loop3A_329 = arith.constant 1 : i32
        %parallel_loop3A_330 = arith.index_cast %parallel_loop3A_329 : i32 to index
        %parallel_loop3A_331 = arith.index_cast %parallel_loop3A_328 : i32 to index
        %parallel_loop3A_332 = arith.constant 0 : index
        %parallel_loop3A_333 = tpu.vector_load %arg7[%parallel_loop3A_330, %parallel_loop3A_331, %parallel_loop3A_332] {strides = array<i32>} : memref<2x256x64xf32, #tpu.memory_space<vmem>>, vector<1x1x16xf32>,
        %parallel_loop3A_334 = vector.shape_cast %parallel_loop3A_333 : vector<1x1x16xf32> to vector<16xf32>
        %parallel_loop3A_335 = arith.addi %rem3A_187, %parallel_loop3A_234 : i32
        %parallel_loop3A_336 = arith.constant 1 : i32
        %parallel_loop3A_337 = arith.addi %parallel_loop3A_335, %parallel_loop3A_336 : i32
        %parallel_loop3A_338 = arith.index_cast %parallel_loop3A_337 : i32 to index
        %parallel_loop3A_339 = arith.constant 0 : index
        %parallel_loop3A_340 = tpu.vector_load %arg9[%parallel_loop3A_338, %parallel_loop3A_339] {strides = array<i32>} : memref<512x64xf32, #tpu.memory_space<vmem>>, vector<1x16xf32>,
        %parallel_loop3A_341 = vector.shape_cast %parallel_loop3A_340 : vector<1x16xf32> to vector<16xf32>
        %parallel_loop3A_342 = arith.addf %parallel_loop3A_334, %parallel_loop3A_341 : vector<16xf32>
        %parallel_loop3A_343 = arith.constant 1 : i32
        %parallel_loop3A_344 = arith.index_cast %parallel_loop3A_343 : i32 to index
        %parallel_loop3A_345 = arith.index_cast %parallel_loop3A_232 : i32 to index
        %parallel_loop3A_346 = arith.constant 64 : index
        %parallel_loop3A_347 = tpu.vector_load %arg8[%parallel_loop3A_344, %parallel_loop3A_345, %parallel_loop3A_346] {strides = array<i32>} : memref<2x128x128xf32, #tpu.memory_space<vmem>>, vector<1x1x16xf32>,
        %parallel_loop3A_348 = vector.shape_cast %parallel_loop3A_347 : vector<1x1x16xf32> to vector<16xf32>
        %parallel_loop3A_349 = vector.shape_cast %parallel_loop3A_342 : vector<16xf32> to vector<1x1x16xf32>
        tpu.vector_store %arg8[%parallel_loop3A_344, %parallel_loop3A_345, %parallel_loop3A_346], %parallel_loop3A_349 {strides = array<i32>} : memref<2x128x128xf32, #tpu.memory_space<vmem>>, vector<1x1x16xf32>,
        %parallel_loop3A_350 = arith.constant 1 : i32
        %parallel_loop3A_351 = arith.addi %parallel_loop3A_234, %parallel_loop3A_350 : i32
        %parallel_loop3A_352 = arith.constant 1 : i32
        %parallel_loop3A_353 = arith.index_cast %parallel_loop3A_352 : i32 to index
        %parallel_loop3A_354 = arith.index_cast %parallel_loop3A_351 : i32 to index
        %parallel_loop3A_355 = arith.constant 16 : index
        %parallel_loop3A_356 = tpu.vector_load %arg7[%parallel_loop3A_353, %parallel_loop3A_354, %parallel_loop3A_355] {strides = array<i32>} : memref<2x256x64xf32, #tpu.memory_space<vmem>>, vector<1x1x16xf32>,
        %parallel_loop3A_357 = vector.shape_cast %parallel_loop3A_356 : vector<1x1x16xf32> to vector<16xf32>
        %parallel_loop3A_358 = arith.addi %rem3A_187, %parallel_loop3A_234 : i32
        %parallel_loop3A_359 = arith.constant 1 : i32
        %parallel_loop3A_360 = arith.addi %parallel_loop3A_358, %parallel_loop3A_359 : i32
        %parallel_loop3A_361 = arith.index_cast %parallel_loop3A_360 : i32 to index
        %parallel_loop3A_362 = arith.constant 16 : index
        %parallel_loop3A_363 = tpu.vector_load %arg9[%parallel_loop3A_361, %parallel_loop3A_362] {strides = array<i32>} : memref<512x64xf32, #tpu.memory_space<vmem>>, vector<1x16xf32>,
        %parallel_loop3A_364 = vector.shape_cast %parallel_loop3A_363 : vector<1x16xf32> to vector<16xf32>
        %parallel_loop3A_365 = arith.addf %parallel_loop3A_357, %parallel_loop3A_364 : vector<16xf32>
        %parallel_loop3A_366 = arith.constant 1 : i32
        %parallel_loop3A_367 = arith.index_cast %parallel_loop3A_366 : i32 to index
        %parallel_loop3A_368 = arith.index_cast %parallel_loop3A_232 : i32 to index
        %parallel_loop3A_369 = arith.constant 80 : index
        %parallel_loop3A_370 = tpu.vector_load %arg8[%parallel_loop3A_367, %parallel_loop3A_368, %parallel_loop3A_369] {strides = array<i32>} : memref<2x128x128xf32, #tpu.memory_space<vmem>>, vector<1x1x16xf32>,
        %parallel_loop3A_371 = vector.shape_cast %parallel_loop3A_370 : vector<1x1x16xf32> to vector<16xf32>
        %parallel_loop3A_372 = vector.shape_cast %parallel_loop3A_365 : vector<16xf32> to vector<1x1x16xf32>
        tpu.vector_store %arg8[%parallel_loop3A_367, %parallel_loop3A_368, %parallel_loop3A_369], %parallel_loop3A_372 {strides = array<i32>} : memref<2x128x128xf32, #tpu.memory_space<vmem>>, vector<1x1x16xf32>,
        %parallel_loop3A_373 = arith.constant 1 : i32
        %parallel_loop3A_374 = arith.addi %parallel_loop3A_234, %parallel_loop3A_373 : i32
        %parallel_loop3A_375 = arith.constant 1 : i32
        %parallel_loop3A_376 = arith.index_cast %parallel_loop3A_375 : i32 to index
        %parallel_loop3A_377 = arith.index_cast %parallel_loop3A_374 : i32 to index
        %parallel_loop3A_378 = arith.constant 32 : index
        %parallel_loop3A_379 = tpu.vector_load %arg7[%parallel_loop3A_376, %parallel_loop3A_377, %parallel_loop3A_378] {strides = array<i32>} : memref<2x256x64xf32, #tpu.memory_space<vmem>>, vector<1x1x16xf32>,
        %parallel_loop3A_380 = vector.shape_cast %parallel_loop3A_379 : vector<1x1x16xf32> to vector<16xf32>
        %parallel_loop3A_381 = arith.addi %rem3A_187, %parallel_loop3A_234 : i32
        %parallel_loop3A_382 = arith.constant 1 : i32
        %parallel_loop3A_383 = arith.addi %parallel_loop3A_381, %parallel_loop3A_382 : i32
        %parallel_loop3A_384 = arith.index_cast %parallel_loop3A_383 : i32 to index
        %parallel_loop3A_385 = arith.constant 32 : index
        %parallel_loop3A_386 = tpu.vector_load %arg9[%parallel_loop3A_384, %parallel_loop3A_385] {strides = array<i32>} : memref<512x64xf32, #tpu.memory_space<vmem>>, vector<1x16xf32>,
        %parallel_loop3A_387 = vector.shape_cast %parallel_loop3A_386 : vector<1x16xf32> to vector<16xf32>
        %parallel_loop3A_388 = arith.addf %parallel_loop3A_380, %parallel_loop3A_387 : vector<16xf32>
        %parallel_loop3A_389 = arith.constant 1 : i32
        %parallel_loop3A_390 = arith.index_cast %parallel_loop3A_389 : i32 to index
        %parallel_loop3A_391 = arith.index_cast %parallel_loop3A_232 : i32 to index
        %parallel_loop3A_392 = arith.constant 96 : index
        %parallel_loop3A_393 = tpu.vector_load %arg8[%parallel_loop3A_390, %parallel_loop3A_391, %parallel_loop3A_392] {strides = array<i32>} : memref<2x128x128xf32, #tpu.memory_space<vmem>>, vector<1x1x16xf32>,
        %parallel_loop3A_394 = vector.shape_cast %parallel_loop3A_393 : vector<1x1x16xf32> to vector<16xf32>
        %parallel_loop3A_395 = vector.shape_cast %parallel_loop3A_388 : vector<16xf32> to vector<1x1x16xf32>
        tpu.vector_store %arg8[%parallel_loop3A_390, %parallel_loop3A_391, %parallel_loop3A_392], %parallel_loop3A_395 {strides = array<i32>} : memref<2x128x128xf32, #tpu.memory_space<vmem>>, vector<1x1x16xf32>,
        %parallel_loop3A_396 = arith.constant 1 : i32
        %parallel_loop3A_397 = arith.addi %parallel_loop3A_234, %parallel_loop3A_396 : i32
        %parallel_loop3A_398 = arith.constant 1 : i32
        %parallel_loop3A_399 = arith.index_cast %parallel_loop3A_398 : i32 to index
        %parallel_loop3A_400 = arith.index_cast %parallel_loop3A_397 : i32 to index
        %parallel_loop3A_401 = arith.constant 48 : index
        %parallel_loop3A_402 = tpu.vector_load %arg7[%parallel_loop3A_399, %parallel_loop3A_400, %parallel_loop3A_401] {strides = array<i32>} : memref<2x256x64xf32, #tpu.memory_space<vmem>>, vector<1x1x16xf32>,
        %parallel_loop3A_403 = vector.shape_cast %parallel_loop3A_402 : vector<1x1x16xf32> to vector<16xf32>
        %parallel_loop3A_404 = arith.addi %rem3A_187, %parallel_loop3A_234 : i32
        %parallel_loop3A_405 = arith.constant 1 : i32
        %parallel_loop3A_406 = arith.addi %parallel_loop3A_404, %parallel_loop3A_405 : i32
        %parallel_loop3A_407 = arith.index_cast %parallel_loop3A_406 : i32 to index
        %parallel_loop3A_408 = arith.constant 48 : index
        %parallel_loop3A_409 = tpu.vector_load %arg9[%parallel_loop3A_407, %parallel_loop3A_408] {strides = array<i32>} : memref<512x64xf32, #tpu.memory_space<vmem>>, vector<1x16xf32>,
        %parallel_loop3A_410 = vector.shape_cast %parallel_loop3A_409 : vector<1x16xf32> to vector<16xf32>
        %parallel_loop3A_411 = arith.addf %parallel_loop3A_403, %parallel_loop3A_410 : vector<16xf32>
        %parallel_loop3A_412 = arith.constant 1 : i32
        %parallel_loop3A_413 = arith.index_cast %parallel_loop3A_412 : i32 to index
        %parallel_loop3A_414 = arith.index_cast %parallel_loop3A_232 : i32 to index
        %parallel_loop3A_415 = arith.constant 112 : index
        %parallel_loop3A_416 = tpu.vector_load %arg8[%parallel_loop3A_413, %parallel_loop3A_414, %parallel_loop3A_415] {strides = array<i32>} : memref<2x128x128xf32, #tpu.memory_space<vmem>>, vector<1x1x16xf32>,
        %parallel_loop3A_417 = vector.shape_cast %parallel_loop3A_416 : vector<1x1x16xf32> to vector<16xf32>
        %parallel_loop3A_418 = vector.shape_cast %parallel_loop3A_411 : vector<16xf32> to vector<1x1x16xf32>
        tpu.vector_store %arg8[%parallel_loop3A_413, %parallel_loop3A_414, %parallel_loop3A_415], %parallel_loop3A_418 {strides = array<i32>} : memref<2x128x128xf32, #tpu.memory_space<vmem>>, vector<1x1x16xf32>,
      } {sc.loop_unroll_factor = 4 : i64, sc.parallel_access}
      %mul3A_191 = arith.constant 256 : i32
      %mul3A_192 = arith.muli %add3A_162, %mul3A_191 : i32
      %add3A_193 = arith.addi %mul3A_2, %mul3A_192 : i32
      %jit3A_194 = arith.constant 2 : i32
      %div3A_195 = arith.divsi %add3A_193, %jit3A_194 : i32
      %sign3A_196 = arith.constant 0 : i32
      %sign3A_197 = arith.cmpi sgt, %add3A_193, %sign3A_196 : i32
      %sign3A_198 = arith.extui %sign3A_197 : i1 to i32
      %sign3A_199 = arith.constant 0 : i32
      %sign3A_200 = arith.cmpi slt, %add3A_193, %sign3A_199 : i32
      %sign3A_201 = arith.extui %sign3A_200 : i1 to i32
      %sign3A_202 = arith.subi %sign3A_198, %sign3A_201 : i32
      %sign3A_203 = arith.constant 0 : i32
      %sign3A_204 = arith.cmpi sgt, %jit3A_194, %sign3A_203 : i32
      %sign3A_205 = arith.extui %sign3A_204 : i1 to i32
      %sign3A_206 = arith.constant 0 : i32
      %sign3A_207 = arith.cmpi slt, %jit3A_194, %sign3A_206 : i32
      %sign3A_208 = arith.extui %sign3A_207 : i1 to i32
      %sign3A_209 = arith.subi %sign3A_205, %sign3A_208 : i32
      %ne3A_210 = arith.cmpi ne, %sign3A_202, %sign3A_209 : i32
      %rem3A_211 = arith.remsi %add3A_193, %jit3A_194 : i32
      %ne3A_212 = arith.constant 0 : i32
      %ne3A_213 = arith.cmpi ne, %rem3A_211, %ne3A_212 : i32
      %and3A_214 = arith.andi %ne3A_210, %ne3A_213 : i1
      %sub3A_215 = arith.constant 1 : i32
      %sub3A_216 = arith.subi %div3A_195, %sub3A_215 : i32
      %select_n3A_217 = arith.select %and3A_214, %sub3A_216, %div3A_195 : i32
      %multiple_of3A_218 = tpu.assume_multiple %select_n3A_217, 128 : i32
      %dma_start3A_219 = arith.constant 1 : i32
      %dma_start3A_220 = arith.constant 0 : i32
      %dma_start3A_221 = arith.constant 0 : i32
      %dma_start3A_222 = tpu.memref_slice %arg8[%dma_start3A_219, %dma_start3A_220, %dma_start3A_221] : memref<2x128x128xf32, #tpu.memory_space<vmem>> -> memref<1x128x128xf32, #tpu.memory_space<vmem>>
      %dma_start3A_223 = tpu.memref_squeeze %dma_start3A_222 : memref<1x128x128xf32, #tpu.memory_space<vmem>> -> memref<128x128xf32, #tpu.memory_space<vmem>>
      %dma_start3A_224 = arith.constant 0 : i32
      %dma_start3A_225 = tpu.memref_slice %arg5[%multiple_of3A_218, %dma_start3A_224] : memref<409600x128xf32, #tpu.memory_space<hbm>> -> memref<128x128xf32, #tpu.memory_space<hbm>>
      %dma_start3A_226 = arith.constant 0 : i32
      %dma_start3A_227 = tpu.memref_slice %arg5[%multiple_of3A_218, %dma_start3A_226] : memref<409600x128xf32, #tpu.memory_space<hbm>> -> memref<128x128xf32, #tpu.memory_space<hbm>>
      %dma_start3A_228 = arith.constant 0 : i32
      %dma_start3A_229 = arith.constant 0 : i32
      %dma_start3A_230 = tpu.memref_slice %arg8[%dma_start3A_219, %dma_start3A_228, %dma_start3A_229] : memref<2x128x128xf32, #tpu.memory_space<vmem>> -> memref<1x128x128xf32, #tpu.memory_space<vmem>>
      %dma_start3A_231 = tpu.memref_squeeze %dma_start3A_230 : memref<1x128x128xf32, #tpu.memory_space<vmem>> -> memref<128x128xf32, #tpu.memory_space<vmem>>
      tpu.enqueue_dma source(%dma_start3A_231 : memref<128x128xf32, #tpu.memory_space<vmem>>) target(%dma_start3A_227 : memref<128x128xf32, #tpu.memory_space<hbm>>) target_semaphore(%arg13 : memref<!tpu.dma_semaphore, #tpu.memory_space<semaphore_mem>>)
    }
    %scan3A_32 = arith.constant 50 : i32
    %dma_wait3A = arith.constant 0 : i32
    %dma_wait3A_33 = arith.constant 0 : i32
    %dma_wait3A_34 = arith.constant 0 : i32
    %dma_wait3A_35 = tpu.memref_slice %arg8[%dma_wait3A, %dma_wait3A_33, %dma_wait3A_34] : memref<2x128x128xf32, #tpu.memory_space<vmem>> -> memref<1x128x128xf32, #tpu.memory_space<vmem>>
    %dma_wait3A_36 = tpu.memref_squeeze %dma_wait3A_35 : memref<1x128x128xf32, #tpu.memory_space<vmem>> -> memref<128x128xf32, #tpu.memory_space<vmem>>
    %dma_wait3A_37 = arith.constant 0 : i32
    %dma_wait3A_38 = arith.constant 0 : i32
    %dma_wait3A_39 = tpu.memref_slice %arg5[%dma_wait3A_37, %dma_wait3A_38] : memref<409600x128xf32, #tpu.memory_space<hbm>> -> memref<128x128xf32, #tpu.memory_space<hbm>>
    %dma_wait3A_40 = arith.constant 0 : i32
    %dma_wait3A_41 = arith.constant 0 : i32
    %dma_wait3A_42 = tpu.memref_slice %arg5[%dma_wait3A_40, %dma_wait3A_41] : memref<409600x128xf32, #tpu.memory_space<hbm>> -> memref<128x128xf32, #tpu.memory_space<hbm>>
    %dma_wait3A_43 = arith.constant 0 : i32
    %dma_wait3A_44 = arith.constant 0 : i32
    %dma_wait3A_45 = tpu.memref_slice %arg8[%dma_wait3A, %dma_wait3A_43, %dma_wait3A_44] : memref<2x128x128xf32, #tpu.memory_space<vmem>> -> memref<1x128x128xf32, #tpu.memory_space<vmem>>
    %dma_wait3A_46 = tpu.memref_squeeze %dma_wait3A_45 : memref<1x128x128xf32, #tpu.memory_space<vmem>> -> memref<128x128xf32, #tpu.memory_space<vmem>>
    tpu.wait_dma2 semaphore(%arg12 : memref<!tpu.dma_semaphore, #tpu.memory_space<semaphore_mem>>) src(%dma_wait3A_46 : memref<128x128xf32, #tpu.memory_space<vmem>>) dst(%dma_wait3A_42 : memref<128x128xf32, #tpu.memory_space<hbm>>)
    %dma_wait3A_47 = arith.constant 1 : i32
    %dma_wait3A_48 = arith.constant 0 : i32
    %dma_wait3A_49 = arith.constant 0 : i32
    %dma_wait3A_50 = tpu.memref_slice %arg8[%dma_wait3A_47, %dma_wait3A_48, %dma_wait3A_49] : memref<2x128x128xf32, #tpu.memory_space<vmem>> -> memref<1x128x128xf32, #tpu.memory_space<vmem>>
    %dma_wait3A_51 = tpu.memref_squeeze %dma_wait3A_50 : memref<1x128x128xf32, #tpu.memory_space<vmem>> -> memref<128x128xf32, #tpu.memory_space<vmem>>
    %dma_wait3A_52 = arith.constant 0 : i32
    %dma_wait3A_53 = arith.constant 0 : i32
    %dma_wait3A_54 = tpu.memref_slice %arg5[%dma_wait3A_52, %dma_wait3A_53] : memref<409600x128xf32, #tpu.memory_space<hbm>> -> memref<128x128xf32, #tpu.memory_space<hbm>>
    %dma_wait3A_55 = arith.constant 0 : i32
    %dma_wait3A_56 = arith.constant 0 : i32
    %dma_wait3A_57 = tpu.memref_slice %arg5[%dma_wait3A_55, %dma_wait3A_56] : memref<409600x128xf32, #tpu.memory_space<hbm>> -> memref<128x128xf32, #tpu.memory_space<hbm>>
    %dma_wait3A_58 = arith.constant 0 : i32
    %dma_wait3A_59 = arith.constant 0 : i32
    %dma_wait3A_60 = tpu.memref_slice %arg8[%dma_wait3A_47, %dma_wait3A_58, %dma_wait3A_59] : memref<2x128x128xf32, #tpu.memory_space<vmem>> -> memref<1x128x128xf32, #tpu.memory_space<vmem>>
    %dma_wait3A_61 = tpu.memref_squeeze %dma_wait3A_60 : memref<1x128x128xf32, #tpu.memory_space<vmem>> -> memref<128x128xf32, #tpu.memory_space<vmem>>
    tpu.wait_dma2 semaphore(%arg13 : memref<!tpu.dma_semaphore, #tpu.memory_space<semaphore_mem>>) src(%dma_wait3A_61 : memref<128x128xf32, #tpu.memory_space<vmem>>) dst(%dma_wait3A_57 : memref<128x128xf32, #tpu.memory_space<hbm>>)
    return
  }
}

</mosaic_0001>

<sc_bundles>
// kernel: kernel.3.cloned.1.call-start
scs
__scs_entry_jumppad:
0x0: {  	(pc) =	sbr.rel $0x88, $3  }
0x1: {  	(tag) =	ssettag $0x0;
	lr =	simm.s32 $0x1  }
0x2: {  	[smem:$0x3F9E] =	sst lr;
	_ =	strace $0xD0000000  }
0x3: {  	_ = 	snop  }
0x4: {  	_ = 	snop  }
0x5: {  	_ = 	snop  }
0x6: {  	_ = 	snop  }
0x7: {  	_ = 	snop  }
__scs_overlays_trampoline_lowered:
0x8: {  	[smem:$0x3FAD] =	sst s0  }
0x9: {  	[smem:$0x3FAE] =	sst s1  }
0xa: {  	[smem:$0x3FAF] =	sst s2  }
0xb: {  	[smem:$0x3FB0] =	sst s3  }
0xc: {  	[smem:$0x3FB1] =	sst s4  }
0xd: {  	[smem:$0x3FB2] =	sst s5  }
0xe: {  	[smem:$0x3FB3] =	sst s6  }
0xf: {  	[smem:$0x3FB4] =	sst s7  }
0x10: {  	[smem:$0x3FB5] =	sst s8  }
0x11: {  	[smem:$0x3FB6] =	sst s9;
	s0 =	simm.s32 @!p0 $0x0  }
0x12: {  	s1 =	sld [smem:$0x3F9C];
	s0 =	simm.s32 @p0 $0x1  }
0x13: {  	[smem:$0x3FB7] =	sst s0;
	s0 =	simm.s32 @!p1 $0x0  }
0x14: {  	s2 =	sld [smem:$0x3F9B];
	s0 =	simm.s32 @p1 $0x1  }
0x15: {  	[smem:$0x3FB8] =	sst s0;
	s0 =	simm.s32 @!p2 $0x0  }
0x16: {  	s3 =	sld [smem:$0x3FDB];
	s0 =	simm.s32 @p2 $0x1  }
0x17: {  	s4 =	simm.s32 $0x1BF5;
	[smem:$0x3FBA] =	sst s0  }
0x18: {  	s0 =	sld [smem:$0x3F9D];
	_ =	swait.ge [sflag:s4], $0x0  }
0x19: {  	s7 =	sld [smem:$0x3F9E]  }
0x1a: {  	s8 =	sadd.s32 $0xFFFFE003, lr  }
0x1b: {  	s9 =	sadd.s32 $0xFFFFFEF7, lr;
	s5 =	simm.s32 $0xFFFFFFFF;
	p2 =	slt.u32 s8, $0xFFFFF086  }
0x1c: {  	p1 =	slt.u32 s9, $0xF7A;
	s5 =	simm.s32 @!p2 $0x0  }
0x1d: {  	s5 =	simm.s32 @p1 $0x1;
	p0 =	seq.s32 s7, s2  }
0x1e: {  	s7 =	smul.u32 @!p0 $0xF7A, s2;
	p2 =	seq.s32 @!p0 s5, $0x0  }
0x1f: {  	s9 =	smul.u32 $0xF7A, s1;
	s8 =	simm.s32 @!p0 $0x1BF5;
	p2 =	por !p2, p0  }
0x20: {  	[sflag:s8] =	ssyncset.s32 @!p0 $0xFFFFF086;
	s6 =	sadd.s32 @!p0 s3, s7;
	s7 =	simm.s32 @!p0 $0x108  }
0x21: {  	s3 =	sadd.s32 s3, s9;
	s6 =	sadd.s32 @!p0 $0x88, s6;
	s7 =	simm.s32 @p2 $0x1082  }
0x22: {  	[simem:s7], [sflag:s8] =	dma.local @!p0 [hbm:s6], $0xF7A  }
0x23: {  	s9 =	sor.u32 $0xD0000000, s2;
	s6 =	simm.s32 $0x108;
	_ =	swait.ge @!p0 [sflag:s8], $0x0  }
0x24: {  	s3 =	sadd.s32 $0x88, s3;
	s6 =	simm.s32 @!p1 $0x1082;
	[sflag:s4] =	ssyncset.s32 $0xFFFFF086  }
0x25: {  	[simem:s6], [sflag:s4] =	dma.local [hbm:s3], $0xF7A  }
0x26: {  	[smem:$0x3F9E] =	sst s1;
	(tag) =	ssettag s2;
	_ =	strace s9  }
0x27: {  	s1 =	sld [smem:$0x3FAE]  }
0x28: {  	s2 =	sld [smem:$0x3FAF]  }
0x29: {  	s4 =	sld [smem:$0x3FB1]  }
0x2a: {  	p0 =	seq.s32 s5, $0x0;
	s5 =	sld [smem:$0x3FB2]  }
0x2b: {  	s6 =	sld [smem:$0x3FB3]  }
0x2c: {  	s7 =	sld [smem:$0x3FB4]  }
0x2d: {  	s3 =	simm.s32 $0x108;
	s8 =	sld [smem:$0x3FB5]  }
0x2e: {  	s3 =	simm.s32 @!p0 $0x1082;
	s9 =	sld [smem:$0x3FB6]  }
0x2f: {  	lr =	sadd.s32 s0, s3;
	s0 =	sld [smem:$0x3FAD]  }
0x30: {  	s3 =	sld [smem:$0x3FB0]  }
0x31: {  	[smem:$0x3FB9] =	sst s10  }
0x32: {  	s10 =	sld [smem:$0x3FB7];
	_ =	sdelay $0x3  }
0x33: {  	p0 =	seq.s32 s10, $0x1;
	s10 =	sld [smem:$0x3FB9];
	_ =	sdelay $0x3  }
0x34: {  	[smem:$0x3FB9] =	sst s10  }
0x35: {  	s10 =	sld [smem:$0x3FB8];
	_ =	sdelay $0x3  }
0x36: {  	p1 =	seq.s32 s10, $0x1;
	s10 =	sld [smem:$0x3FB9];
	_ =	sdelay $0x3  }
0x37: {  	[smem:$0x3FB9] =	sst s10  }
0x38: {  	s10 =	sld [smem:$0x3FBA]  }
0x39: {  	_ = 	snop;
	(pc) =	sbr.ind lr, $3  }
0x3a: {  	_ = 	snop  }
0x3b: {  	_ = 	snop  }
0x3c: {  	p2 =	seq.s32 s10, $0x1;
	s10 =	sld [smem:$0x3FB9]  }
0x3d: {  	_ =	shalt  }
0x3e: {  	_ =	shalt  }
0x3f: {  	_ =	shalt  }
0x40: {  	_ =	shalt  }
0x41: {  	_ =	shalt  }
0x42: {  	_ =	shalt  }
0x43: {  	_ =	shalt  }
0x44: {  	_ =	shalt  }
0x45: {  	_ =	shalt  }
0x46: {  	_ =	shalt  }
0x47: {  	_ =	shalt  }
0x48: {  	_ =	shalt  }
0x49: {  	_ =	shalt  }
0x4a: {  	_ =	shalt  }
0x4b: {  	_ =	shalt  }
0x4c: {  	_ =	shalt  }
0x4d: {  	_ =	shalt  }
0x4e: {  	_ =	shalt  }
0x4f: {  	_ =	shalt  }
0x50: {  	_ =	shalt  }
0x51: {  	_ =	shalt  }
0x52: {  	_ =	shalt  }
0x53: {  	_ =	shalt  }
0x54: {  	_ =	shalt  }
0x55: {  	_ =	shalt  }
0x56: {  	_ =	shalt  }
0x57: {  	_ =	shalt  }
0x58: {  	_ =	shalt  }
0x59: {  	_ =	shalt  }
0x5a: {  	_ =	shalt  }
0x5b: {  	_ =	shalt  }
0x5c: {  	_ =	shalt  }
0x5d: {  	_ =	shalt  }
0x5e: {  	_ =	shalt  }
0x5f: {  	_ =	shalt  }
0x60: {  	_ =	shalt  }
0x61: {  	_ =	shalt  }
0x62: {  	_ =	shalt  }
0x63: {  	_ =	shalt  }
0x64: {  	_ =	shalt  }
0x65: {  	_ =	shalt  }
0x66: {  	_ =	shalt  }
0x67: {  	_ =	shalt  }
0x68: {  	_ =	shalt  }
0x69: {  	_ =	shalt  }
0x6a: {  	_ =	shalt  }
0x6b: {  	_ =	shalt  }
0x6c: {  	_ =	shalt  }
0x6d: {  	_ =	shalt  }
0x6e: {  	_ =	shalt  }
0x6f: {  	_ =	shalt  }
0x70: {  	_ =	shalt  }
0x71: {  	_ =	shalt  }
0x72: {  	_ =	shalt  }
0x73: {  	_ =	shalt  }
0x74: {  	_ =	shalt  }
0x75: {  	_ =	shalt  }
0x76: {  	_ =	shalt  }
0x77: {  	_ =	shalt  }
0x78: {  	_ =	shalt  }
0x79: {  	_ =	shalt  }
0x7a: {  	_ =	shalt  }
0x7b: {  	_ =	shalt  }
0x7c: {  	_ =	shalt  }
0x7d: {  	_ =	shalt  }
0x7e: {  	_ =	shalt  }
0x7f: {  	_ =	shalt  }
0x80: {  	_ =	shalt  }
0x81: {  	_ =	shalt  }
0x82: {  	_ =	shalt  }
0x83: {  	_ =	shalt  }
0x84: {  	_ =	shalt  }
0x85: {  	_ =	shalt  }
0x86: {  	_ =	shalt  }
0x87: {  	_ =	shalt  }
.Lfunc_end0:
.L_simem_size_0:
called_computation.1_lowered:
.L_overlay_start_0:
0x88: {  	s2 =	sld [smem:$0x3FD9]  }
0x89: {  	s3 =	sld [smem:$0x3FFE];
	_ =	sdelay $0x1  }
0x8a: {  	s1 =	srdreg.scid  }
0x8b: {  	s0 =	sand.u32 $0x1, s1  }
0x8c: {  	s17 =	sshll.u32 s0, $0xA;
	s2 =	sadd.s32 s3, s2  }
0x8d: {  	s2 =	sadd.s32 s2, s17  }
0x8e: {  	[smem:$0x3FC5] =	sst s2  }
0x8f: {  	_ = 	snop  }
0x90: {  	s2 =	sld [smem:$0x3FD0];
	(tm) =	ssettm $0x1  }
0x91: {  	s18 =	sld [smem:$0x3FFB];
	_ =	sdelay $0x3  }
0x92: {  	_ =	strace s18  }
0x93: {  	s3 =	sld [smem:$0x3FFC];
	_ =	sdelay $0x3  }
0x94: {  	_ =	strace s3  }
0x95: {  	s3 =	sld [smem:$0x3FFD];
	_ =	sdelay $0x3  }
0x96: {  	_ =	strace s3  }
0x97: {  	_ =	strace $0x8FFFFFFF  }
0x98: {  	s19 =	sld [smem:$0x3FDB];
	_ =	sdelay $0x1  }
0x99: {  	s4 =	simm.s32 $_scs_section_size  }
0x9a: {  	s5 =	simm.s32 $_size__tile_overlayer_lowered;
	s6 =	simm.s32 $_tile_overlayer_lowered  }
0x9b: {  	s22 =	simm.s32 $0x1BFF;
	s21 =	sshll.u32 s6, $0x1;
	s3 =	sadd.s32 s4, s19  }
0x9c: {  	s7 =	simm.s32 $0x0;
	s20 =	sshll.u32 s5, $0x1;
	s5 =	sadd.s32 s21, s3  }
0x9d: {  	[timem:s7], [sflag:s22] =	dma.local [hbm:s5], s20  }
0x9e: {  	_ =	swait.ge [sflag:s22], s20  }
0x9f: {  	s4 =	ssub.s32 $0x0, s20;
	[sflag:s22] =	ssyncset.done $0x0  }
0xa0: {  	[sflag:s22] =	ssyncadd.s32 s4;
	_ =	sdelay $0x1  }
0xa1: {  	s23 =	simm.s32 $0x1B8B  }
0xa2: {  	_ =	swait.ge [sflag:s23], $0x1  }
0xa3: {  	[sflag:s23] =	ssyncset.done $0x0  }
0xa4: {  	s25 =	simm.s32 $0x1B8E;
	s24 =	sld [smem:$0x3FFE];
	[sflag:s23] =	ssyncadd.s32 $0xFFFFFFFF  }
0xa5: {  	s26 =	simm.s32 $execute0_lowered;
	[smem:$0x3FD2] =	sst s25  }
0xa6: {  	s5 =	sshll.u32 s26, $0x1;
	_ =	strace $0x80000046;
	[dreg:$0x1] =	wrdreg $0xFFFFFFFF  }
0xa7: {  	s28 =	simm.s32 $_size_execute0_lowered;
	s3 =	sadd.s32 s3, s5;
	[dreg:$0x0] =	wrdreg $0x0  }
0xa8: {  	s5 =	sshll.u32 s28, $0x1;
	[dreg:$0x2] =	wrdreg s3  }
0xa9: {  	[dreg:$0x3] =	wrdreg s5  }
0xaa: {  	[dreg:$0x4] =	wrdreg $0xC0  }
0xab: {  	_ =	task [dreg:s7], $0x5FFFF  }
0xac: {  	[dreg:$0x1] =	wrdreg $0xFFFFFFFF  }
0xad: {  	[dreg:$0x0] =	wrdreg $0x60  }
0xae: {  	[dreg:$0x2] =	wrdreg s24  }
0xaf: {  	[dreg:$0x3] =	wrdreg s2  }
0xb0: {  	[dreg:$0x4] =	wrdreg $0x9  }
0xb1: {  	_ =	task.clear_ibuf [dreg:s7], $0x5FFFF;
	_ =	strace $0x90000046  }
0xb2: {  	s29 =	simm.s32 $0x9;
	_ =	strace $0x80000048  }
0xb3: {  	_ =	swait.ge [sflag:s29], $0x1  }
0xb4: {  	[sflag:s29] =	ssyncadd.s32 $0xFFFFFFFF  }
0xb5: {  	_ =	strace $0x90000048  }
0xb6: {  	_ =	sfence  }
0xb7: {  	s30 =	sld [smem:$0x0];
	_ =	sdelay $0x2  }
0xb8: {  	s31 =	sshll.u32 s1, $0xD;
	s1 =	sshrl.u32 s1, $0x2  }
0xb9: {  	s3 =	sand.u32 $0x4000, s31;
	s1 =	sadd.s32 s1, s30  }
0xba: {  	s0 =	sor.u32 s3, s0;
	s1 =	sshll.u32 s1, $0x11  }
0xbb: {  	s0 =	sor.u32 s1, s0  }
0xbc: {  	s0 =	sadd.s32 $0x8F2B, s0  }
0xbd: {  	[sflag:s0] =	ssyncadd.remote.s32 $0x1  }
0xbe: {  	_ =	sfence.sel $0xFFFF  }
0xbf: {  	[dreg:$0x0] =	wrdreg $0xFFFFFFFF;
	(pc) =	sbr.abs _section_cstart, $3  }
0xc0: {  	[dreg:$0x1] =	wrdreg $0xFFFFFFFF  }
0xc1: {  	_ =	task.clear_ibuf [dreg:s7], $0x2FFFF;
	_ =	strace $0x9FFFFFFF  }
0xc2: {  	(tm) =	ssettm $0x7FFFFFFF  }
0xc3: {  	_ =	shalt  }
tec
execute0_lowered:
.L_overlay_start_1:
0x0: {  	(tag) =	ssettag $0x1  }
0x1: {  	s0 =	srdreg.scid;
	s2 =	stileid.u32  }
0x2: {  	s1 =	rddreg [dreg:$0x0];
	s9 =	simm.s32 $0x5;
	s12 =	simm.s32 $0x80  }
0x3: {  	s15 =	simm.s32 $0x1;
	s16 =	simm.s32 $0xA400;
	s17 =	simm.s32 $0xC400  }
0x4: {  	s18 =	simm.s32 $0xE400;
	s19 =	simm.s32 $0x2;
	s20 =	simm.s32 $0x12400  }
0x5: {  	s21 =	simm.s32 $0x3;
	s0 =	sand.u32 $0x1, s0;
	s3 =	sshll.u32 s2, $0x1  }
0x6: {  	s22 =	simm.s32 $0x4;
	s23 =	simm.s32 $0x0;
	s6 =	sor.u32 s0, s3  }
0x7: {  	s2 =	rddreg [dreg:$0x1];
	s3 =	simm.s32 $0x0;
	s4 =	smul.u32 $0xC80, s6  }
0x8: {  	s5 =	sadd.s32 $0x800, s1;
	s0 =	ssub.s32 $0x2, s0;
	[smem:$0x7FF] =	sst s3  }
0x9: {  	s8 =	sshrl.u32 s0, $0x1;
	s6 =	smul.u32 $0x6400, s6;
	s7 =	sadd.s32 s4, s1  }
0xa: {  	_ =	strace $0x80000047;
	s0 =	ssub.s32 s0, s8;
	s31 =	sadd.s32 $0x1000, s7  }
0xb: {  	s4 =	sadd.s32 $0x1A000, s1;
	s8 =	smax.u32 s0, $0x1;
	[dreg:$0x3] =	wrdreg s31  }
.LBB2_1:
0xc: {  	s0 =	rddreg [dreg:$0x3]  }
0xd: {  	[tilespmem:s3], [sflag:$0x5] =	stream.linear.gather [hbm4b:s0+s3], $0x6400, $0x38;
	[tilespmem:$0x1E400] =	vst v63  }
0xe: {  	_ =	swait.ge [sflag:s9], $0x6400  }
0xf: {  	[sflag:s9] =	ssyncset.done $0x0  }
0x10: {  	s24 =	simm.s32 $0x16400;
	[sflag:s9] =	ssyncadd.s32 $0xFFFF9C00  }
0x11: {  	[tilespmem:s24], [sflag:$0x5] =	stream.linear.gather [hbm4b:s5+s3], $0x3200, $0x38;
	[tilespmem:$0x1E400] =	vst v63  }
0x12: {  	_ =	swait.ge [sflag:s9], $0x3200  }
0x13: {  	[sflag:s9] =	ssyncset.done $0x0  }
0x14: {  	s26 =	simm.s32 $0x19600;
	[sflag:s9] =	ssyncadd.s32 $0xFFFFCE00  }
0x15: {  	[tilespmem:s26], [sflag:$0x5] =	stream.linear.gather [hbm4b:s5+s3], $0x3200, $0x38;
	[tilespmem:$0x1E400] =	vst v63  }
0x16: {  	_ =	swait.ge [sflag:s9], $0x3200  }
0x17: {  	[sflag:s9] =	ssyncset.done $0x0  }
0x18: {  	s28 =	simm.s32 $0x1C800;
	[sflag:s9] =	ssyncadd.s32 $0xFFFFCE00  }
0x19: {  	[tilespmem:s28], [sflag:$0x5] =	stream.linear.gather [hbm4b:s5+s3], $0x1C00, $0x38;
	[tilespmem:$0x1E400] =	vst v63  }
0x1a: {  	_ =	swait.ge [sflag:s9], $0x1C00  }
0x1b: {  	[sflag:s9] =	ssyncset.done $0x0  }
0x1c: {  	s30 =	simm.s32 $0x6400;
	s31 =	simm.s32 $0x8400;
	[sflag:s9] =	ssyncadd.s32 $0xFFFFE400  }
0x1d: {  	[tilespmem:s30], [sflag:$0x1] =	stream.indirect.gather [hbm4b:s4+s12], $0x40, s3, s12, $0xb8;
	[tilespmem:$0x1E400] =	vst v63  }
0x1e: {  	s25 =	simm.s32 $0x100;
	s29 =	simm.s32 $0x0;
	s26 =	simm.s32 $0x0  }
0x1f: {  	[tilespmem:s31], [sflag:$0x1] =	stream.indirect.gather [hbm4b:s4+s12], $0x40, s12, s12, $0xb8;
	[tilespmem:$0x1E400] =	vst v63  }
.LBB2_2:
0x20: {  	s0 =	sand.u32 $0xFFF8, s26;
	_ =	swait.ge [sflag:s15], $0x4000  }
0x21: {  	p0 =	seq.s32 s29, $0x0;
	s0 =	sshrl.u32 s0, $0x3;
	[sflag:s15] =	ssyncset.done $0x0  }
0x22: {  	s1 =	simm.s32 @!p0 $0x4;
	s0 =	smul.u32 $0x147B, s0;
	[sflag:s15] =	ssyncadd.s32 $0xFFFFC000  }
0x23: {  	s7 =	sshllo.u32 s29, $0x1;
	_ =	swait.ge @!p0 [sflag:s1], $0x4000  }
0x24: {  	s28 =	sshll.u32 s7, $0x8;
	s0 =	sshrl.u32 s0, $0x11;
	[sflag:s1] =	ssyncset.done @!p0 $0x0  }
0x25: {  	s13 =	sand.u32 $0x3FFFFF00, s28;
	s0 =	smul.u32 $0x3800, s0;
	[sflag:s1] =	ssyncadd.s32 @!p0 $0xFFFFC000  }
0x26: {  	[tilespmem:s16], [sflag:$0x2] =	stream.indirect.gather [hbm4b:s4+s12], $0x40, s13, s12, $0xb8;
	[tilespmem:$0x1E400] =	vst v63  }
0x27: {  	s1 =	sor.u32 $0x80, s13;
	s0 =	sand.u32 $0xF800, s0  }
0x28: {  	[tilespmem:s17], [sflag:$0x2] =	stream.indirect.gather [hbm4b:s4+s12], $0x40, s1, s12, $0xb8;
	[tilespmem:$0x1E400] =	vst v63  }
0x29: {  	s30 =	simm.s32 $0x6500;
	s0 =	sshrl.u32 s0, $0x2  }
0x2a: {  	s7 =	sadd.s32 $0x16500, s0;
	v0 =	vld [tilespmem:s30+$0x80]  }
0x2b: {  	v1 =	vld [tilespmem:s7+$0x80];
	_ =	sdelay $0x2  }
0x2c: {  	v2 =	vld [tilespmem:s30+$0xFFFFFF80]  }
0x2d: {  	v3 =	vld [tilespmem:s7+$0xFFFFFF80]  }
0x2e: {  	v4 =	vld [tilespmem:s7+$0xFFFFFF00];
	v0 =	vadd.f32 v1, v0  }
0x2f: {  	s1 =	simm.s32 $0xE500;
	v1 =	vld [tilespmem:s30+$0xFFFFFF00]  }
0x30: {  	[tilespmem:s1+$0x80] =	vst v0  }
0x31: {  	v0 =	vld [tilespmem:s30+$0x90]  }
0x32: {  	v2 =	vadd.f32 v3, v2;
	v3 =	vld [tilespmem:s7+$0x90]  }
0x33: {  	v5 =	vld [tilespmem:s30+$0x0]  }
0x34: {  	v6 =	vld [tilespmem:s7+$0x0];
	[tilespmem:s1+$0xFFFFFF80] =	vst v2;
	v1 =	vadd.f32 v4, v1  }
0x35: {  	v2 =	vld [tilespmem:s30+$0xFFFFFF90]  }
0x36: {  	v4 =	vld [tilespmem:s7+$0xFFFFFF90];
	[tilespmem:s1+$0xFFFFFF00] =	vst v1  }
0x37: {  	v1 =	vld [tilespmem:s30+$0xFFFFFF10];
	v0 =	vadd.f32 v3, v0  }
0x38: {  	v3 =	vld [tilespmem:s7+$0xFFFFFF10]  }
0x39: {  	v5 =	vadd.f32 v6, v5;
	[tilespmem:s1+$0x90] =	vst v0  }
0x3a: {  	v0 =	vld [tilespmem:s30+$0xA0]  }
0x3b: {  	[tilespmem:s1+$0x0] =	vst v5;
	v2 =	vadd.f32 v4, v2;
	v4 =	vld [tilespmem:s7+$0xA0]  }
0x3c: {  	v5 =	vld [tilespmem:s30+$0x10]  }
0x3d: {  	v6 =	vld [tilespmem:s7+$0x10];
	[tilespmem:s1+$0xFFFFFF90] =	vst v2;
	v1 =	vadd.f32 v3, v1  }
0x3e: {  	v2 =	vld [tilespmem:s30+$0xFFFFFFA0]  }
0x3f: {  	v3 =	vld [tilespmem:s7+$0xFFFFFFA0];
	[tilespmem:s1+$0xFFFFFF10] =	vst v1  }
0x40: {  	v1 =	vld [tilespmem:s30+$0xFFFFFF20];
	v0 =	vadd.f32 v4, v0  }
0x41: {  	v4 =	vld [tilespmem:s7+$0xFFFFFF20]  }
0x42: {  	v5 =	vadd.f32 v6, v5;
	[tilespmem:s1+$0xA0] =	vst v0  }
0x43: {  	v0 =	vld [tilespmem:s30+$0xB0]  }
0x44: {  	[tilespmem:s1+$0x10] =	vst v5;
	v2 =	vadd.f32 v3, v2;
	v3 =	vld [tilespmem:s7+$0xB0]  }
0x45: {  	v5 =	vld [tilespmem:s30+$0x20]  }
0x46: {  	[tilespmem:s1+$0xFFFFFFA0] =	vst v2;
	v2 =	vld [tilespmem:s7+$0x20];
	v1 =	vadd.f32 v4, v1  }
0x47: {  	v4 =	vld [tilespmem:s30+$0xFFFFFFB0]  }
0x48: {  	v6 =	vld [tilespmem:s7+$0xFFFFFFB0];
	[tilespmem:s1+$0xFFFFFF20] =	vst v1  }
0x49: {  	v1 =	vld [tilespmem:s30+$0xFFFFFF30];
	v0 =	vadd.f32 v3, v0  }
0x4a: {  	v3 =	vld [tilespmem:s7+$0xFFFFFF30]  }
0x4b: {  	v2 =	vadd.f32 v2, v5;
	[tilespmem:s1+$0xB0] =	vst v0  }
0x4c: {  	v0 =	vld [tilespmem:s30+$0xC0]  }
0x4d: {  	v4 =	vadd.f32 v6, v4;
	[tilespmem:s1+$0x20] =	vst v2;
	v2 =	vld [tilespmem:s7+$0xC0]  }
0x4e: {  	v5 =	vld [tilespmem:s30+$0x30]  }
0x4f: {  	[tilespmem:s1+$0xFFFFFFB0] =	vst v4;
	v1 =	vadd.f32 v3, v1;
	v3 =	vld [tilespmem:s7+$0x30]  }
0x50: {  	v4 =	vld [tilespmem:s30+$0xFFFFFFC0]  }
0x51: {  	[tilespmem:s1+$0xFFFFFF30] =	vst v1;
	v1 =	vld [tilespmem:s7+$0xFFFFFFC0]  }
0x52: {  	v6 =	vld [tilespmem:s30+$0xFFFFFF40];
	v0 =	vadd.f32 v2, v0  }
0x53: {  	v2 =	vld [tilespmem:s7+$0xFFFFFF40]  }
0x54: {  	v3 =	vadd.f32 v3, v5;
	[tilespmem:s1+$0xC0] =	vst v0  }
0x55: {  	v0 =	vld [tilespmem:s30+$0xD0]  }
0x56: {  	v1 =	vadd.f32 v1, v4;
	[tilespmem:s1+$0x30] =	vst v3;
	v3 =	vld [tilespmem:s7+$0xD0]  }
0x57: {  	v4 =	vld [tilespmem:s30+$0x40]  }
0x58: {  	v2 =	vadd.f32 v2, v6;
	[tilespmem:s1+$0xFFFFFFC0] =	vst v1;
	v1 =	vld [tilespmem:s7+$0x40]  }
0x59: {  	v5 =	vld [tilespmem:s30+$0xFFFFFFD0]  }
0x5a: {  	[tilespmem:s1+$0xFFFFFF40] =	vst v2;
	v2 =	vld [tilespmem:s7+$0xFFFFFFD0]  }
0x5b: {  	v6 =	vld [tilespmem:s30+$0xFFFFFF50];
	v0 =	vadd.f32 v3, v0  }
0x5c: {  	v3 =	vld [tilespmem:s7+$0xFFFFFF50]  }
0x5d: {  	v1 =	vadd.f32 v1, v4;
	[tilespmem:s1+$0xD0] =	vst v0  }
0x5e: {  	v7 =	vld [tilespmem:s30+$0xE0]  }
0x5f: {  	s14 =	smulhi.u32 $0x51EB851F, s25;
	v0 =	vadd.f32 v2, v5;
	v5 =	vld [tilespmem:s7+$0xE0];
	[tilespmem:s1+$0x40] =	vst v1  }
0x60: {  	v1 =	vld [tilespmem:s30+$0x50]  }
0x61: {  	s0 =	sshrl.u32 s14, $0x6;
	v2 =	vadd.f32 v3, v6;
	[tilespmem:s1+$0xFFFFFFD0] =	vst v0;
	v4 =	vld [tilespmem:s7+$0x50]  }
0x62: {  	s0 =	smul.u32 $0xFFFF3800, s0;
	v0 =	vld [tilespmem:s30+$0xFFFFFFE0]  }
0x63: {  	s10 =	sshll.u32 s29, $0x9;
	v3 =	vld [tilespmem:s7+$0xFFFFFFE0];
	[tilespmem:s1+$0xFFFFFF50] =	vst v2  }
0x64: {  	s11 =	simm.s32 $0xE500;
	s13 =	simm.s32 $0x0;
	s0 =	sshra.s32 s0, $0x2;
	v2 =	vld [tilespmem:s30+$0xFFFFFF60];
	v6 =	vadd.f32 v5, v7  }
0x65: {  	s14 =	simm.s32 $0x6700;
	s31 =	smov.u32 s7;
	s0 =	sadd.s32 s0, s24;
	v5 =	vld [tilespmem:s7+$0xFFFFFF60]  }
.LBB2_3:
0x66: {  	v7 =	vld [tilespmem:s14+$0x80];
	v1 =	vadd.f32 v4, v1;
	[tilespmem:s1+$0xE0] =	vst v6  }
0x67: {  	v4 =	vld [tilespmem:s30+$0xF0]  }
0x68: {  	s31 =	sadd.s32 $0x200, s31;
	v0 =	vadd.f32 v3, v0;
	[tilespmem:s1+$0x50] =	vst v1;
	v1 =	vld [tilespmem:s7+$0xF0]  }
0x69: {  	v3 =	vld [tilespmem:s31+$0x80]  }
0x6a: {  	v6 =	vld [tilespmem:s31+$0xFFFFFF00];
	v2 =	vadd.f32 v5, v2;
	[tilespmem:s1+$0xFFFFFFE0] =	vst v0  }
0x6b: {  	v0 =	vld [tilespmem:s14+$0xFFFFFF80]  }
0x6c: {  	v5 =	vld [tilespmem:s31+$0xFFFFFF80];
	[tilespmem:s1+$0xFFFFFF60] =	vst v2  }
0x6d: {  	v2 =	vld [tilespmem:s14+$0x0];
	v1 =	vadd.f32 v1, v4  }
0x6e: {  	v4 =	vld [tilespmem:s31+$0x0];
	v3 =	vadd.f32 v3, v7  }
0x6f: {  	s1 =	sadd.s32 $0x200, s1;
	v7 =	vld [tilespmem:s14+$0xFFFFFF00];
	[tilespmem:s11+$0xF0] =	vst v1  }
0x70: {  	s13 =	sadd.s32 $0x4, s13;
	[tilespmem:s1+$0x80] =	vst v3;
	v1 =	vld [tilespmem:s30+$0x60]  }
0x71: {  	p0 =	slt.u32 s13, $0x7C;
	v0 =	vadd.f32 v5, v0;
	v3 =	vld [tilespmem:s14+$0x90]  }
0x72: {  	v5 =	vld [tilespmem:s31+$0x90]  }
0x73: {  	[tilespmem:s1+$0xFFFFFF80] =	vst v0;
	v0 =	vadd.f32 v4, v2;
	v2 =	vld [tilespmem:s7+$0x60]  }
0x74: {  	v4 =	vadd.f32 v6, v7;
	v6 =	vld [tilespmem:s14+$0xFFFFFF90]  }
0x75: {  	v7 =	vld [tilespmem:s31+$0xFFFFFF90];
	[tilespmem:s1+$0x0] =	vst v0  }
0x76: {  	[tilespmem:s1+$0xFFFFFF00] =	vst v4;
	v0 =	vld [tilespmem:s14+$0x10]  }
0x77: {  	v4 =	vld [tilespmem:s14+$0xFFFFFF10];
	v3 =	vadd.f32 v5, v3  }
0x78: {  	v5 =	vld [tilespmem:s31+$0xFFFFFF10];
	v1 =	vadd.f32 v2, v1  }
0x79: {  	v2 =	vld [tilespmem:s31+$0x10];
	[tilespmem:s1+$0x90] =	vst v3  }
0x7a: {  	v3 =	vadd.f32 v7, v6;
	v6 =	vld [tilespmem:s14+$0xA0];
	[tilespmem:s11+$0x60] =	vst v1  }
0x7b: {  	v1 =	vld [tilespmem:s31+$0xA0]  }
0x7c: {  	[tilespmem:s1+$0xFFFFFF90] =	vst v3;
	v3 =	vld [tilespmem:s30+$0xFFFFFF70]  }
0x7d: {  	v4 =	vadd.f32 v5, v4;
	v5 =	vld [tilespmem:s14+$0xFFFFFFA0]  }
0x7e: {  	v7 =	vld [tilespmem:s31+$0xFFFFFFA0];
	v0 =	vadd.f32 v2, v0  }
0x7f: {  	[tilespmem:s1+$0xFFFFFF10] =	vst v4;
	v2 =	vld [tilespmem:s7+$0xFFFFFF70]  }
0x80: {  	v4 =	vld [tilespmem:s14+$0xFFFFFF20];
	[tilespmem:s1+$0x10] =	vst v0;
	v0 =	vadd.f32 v1, v6  }
0x81: {  	v1 =	vld [tilespmem:s31+$0xFFFFFF20]  }
0x82: {  	v6 =	vld [tilespmem:s14+$0x20];
	[tilespmem:s1+$0xA0] =	vst v0  }
0x83: {  	v0 =	vadd.f32 v7, v5;
	v5 =	vld [tilespmem:s14+$0xB0]  }
0x84: {  	v7 =	vld [tilespmem:s31+$0xB0];
	v2 =	vadd.f32 v2, v3  }
0x85: {  	[tilespmem:s1+$0xFFFFFFA0] =	vst v0;
	v0 =	vld [tilespmem:s31+$0x20]  }
0x86: {  	v1 =	vadd.f32 v1, v4;
	v3 =	vld [tilespmem:s14+$0xFFFFFFB0];
	[tilespmem:s11+$0xFFFFFF70] =	vst v2  }
0x87: {  	v2 =	vld [tilespmem:s31+$0xFFFFFFB0]  }
0x88: {  	[tilespmem:s1+$0xFFFFFF20] =	vst v1;
	v1 =	vld [tilespmem:s30+$0xFFFFFFF0]  }
0x89: {  	v4 =	vld [tilespmem:s14+$0xFFFFFF30];
	v5 =	vadd.f32 v7, v5  }
0x8a: {  	v7 =	vld [tilespmem:s31+$0xFFFFFF30];
	v0 =	vadd.f32 v0, v6  }
0x8b: {  	[tilespmem:s1+$0xB0] =	vst v5;
	v5 =	vld [tilespmem:s7+$0xFFFFFFF0]  }
0x8c: {  	v2 =	vadd.f32 v2, v3;
	[tilespmem:s1+$0x20] =	vst v0;
	v0 =	vld [tilespmem:s14+$0xC0]  }
0x8d: {  	v3 =	vld [tilespmem:s31+$0xC0]  }
0x8e: {  	[tilespmem:s1+$0xFFFFFFB0] =	vst v2;
	v2 =	vld [tilespmem:s14+$0x30]  }
0x8f: {  	v4 =	vadd.f32 v7, v4;
	v6 =	vld [tilespmem:s31+$0x30]  }
0x90: {  	v7 =	vld [tilespmem:s14+$0xFFFFFFC0];
	v1 =	vadd.f32 v5, v1  }
0x91: {  	[tilespmem:s1+$0xFFFFFF30] =	vst v4;
	v4 =	vld [tilespmem:s31+$0xFFFFFFC0]  }
0x92: {  	v5 =	vld [tilespmem:s14+$0xFFFFFF40];
	v0 =	vadd.f32 v3, v0;
	[tilespmem:s11+$0xFFFFFFF0] =	vst v1  }
0x93: {  	v1 =	vld [tilespmem:s31+$0xFFFFFF40]  }
0x94: {  	v2 =	vadd.f32 v6, v2;
	[tilespmem:s1+$0xC0] =	vst v0;
	v3 =	vld [tilespmem:s30+$0x70];
	s30 =	smov.u32 s14  }
0x95: {  	v0 =	vld [tilespmem:s14+$0xD0]  }
0x96: {  	v4 =	vadd.f32 v4, v7;
	[tilespmem:s1+$0x30] =	vst v2;
	v2 =	vld [tilespmem:s31+$0xD0]  }
0x97: {  	v6 =	vld [tilespmem:s14+$0x40]  }
0x98: {  	v1 =	vadd.f32 v1, v5;
	[tilespmem:s1+$0xFFFFFFC0] =	vst v4;
	v4 =	vld [tilespmem:s31+$0x40]  }
0x99: {  	v5 =	vld [tilespmem:s14+$0xFFFFFFD0]  }
0x9a: {  	[tilespmem:s1+$0xFFFFFF40] =	vst v1;
	v1 =	vld [tilespmem:s31+$0xFFFFFFD0]  }
0x9b: {  	v7 =	vld [tilespmem:s14+$0xFFFFFF50];
	v0 =	vadd.f32 v2, v0  }
0x9c: {  	v2 =	vld [tilespmem:s31+$0xFFFFFF50]  }
0x9d: {  	v4 =	vadd.f32 v4, v6;
	[tilespmem:s1+$0xD0] =	vst v0;
	v6 =	vld [tilespmem:s7+$0x70];
	s7 =	smov.u32 s31  }
0x9e: {  	v8 =	vld [tilespmem:s14+$0xE0]  }
0x9f: {  	v0 =	vadd.f32 v1, v5;
	[tilespmem:s1+$0x40] =	vst v4;
	v5 =	vld [tilespmem:s31+$0xE0]  }
0xa0: {  	v1 =	vld [tilespmem:s14+$0x50]  }
.Ltmp0:
0xa1: {  	v2 =	vadd.f32 v2, v7;
	[tilespmem:s1+$0xFFFFFFD0] =	vst v0;
	v4 =	vld [tilespmem:s31+$0x50];
	(pc) =	sbr.rel @p0 .LBB2_3-.Ltmp0, $4  }
0xa2: {  	v0 =	vld [tilespmem:s14+$0xFFFFFFE0];
	v7 =	vadd.f32 v6, v3  }
0xa3: {  	[tilespmem:s1+$0xFFFFFF50] =	vst v2;
	v3 =	vld [tilespmem:s31+$0xFFFFFFE0]  }
0xa4: {  	v2 =	vld [tilespmem:s14+$0xFFFFFF60];
	v6 =	vadd.f32 v5, v8;
	[tilespmem:s11+$0x70] =	vst v7;
	s11 =	smov.u32 s1  }
0xa5: {  	s14 =	sadd.s32 $0x200, s14;
	v5 =	vld [tilespmem:s31+$0xFFFFFF60]  }
0xa6: {  	v1 =	vadd.f32 v4, v1;
	_ =	sdelay $0x1  }
0xa7: {  	[tilespmem:s1+$0x50] =	vst v1  }
0xa8: {  	v1 =	vld [tilespmem:s30+$0x60]  }
0xa9: {  	v4 =	vld [tilespmem:s7+$0x60]  }
0xaa: {  	[tilespmem:s1+$0xE0] =	vst v6;
	v2 =	vadd.f32 v5, v2  }
0xab: {  	v0 =	vadd.f32 v3, v0;
	v3 =	vld [tilespmem:s7+$0xF0]  }
0xac: {  	v5 =	vld [tilespmem:s30+$0xF0];
	[tilespmem:s1+$0xFFFFFF60] =	vst v2  }
0xad: {  	v2 =	vld [tilespmem:s30+$0xFFFFFF70]  }
0xae: {  	[tilespmem:s1+$0xFFFFFFE0] =	vst v0;
	v0 =	vadd.f32 v4, v1;
	v1 =	vld [tilespmem:s7+$0xFFFFFF70]  }
0xaf: {  	v4 =	vld [tilespmem:s30+$0xFFFFFFF0]  }
0xb0: {  	[tilespmem:s11+$0x60] =	vst v0;
	v0 =	vld [tilespmem:s7+$0xFFFFFFF0]  }
0xb1: {  	v6 =	vld [tilespmem:s30+$0x70]  }
0xb2: {  	v7 =	vld [tilespmem:s7+$0x70];
	_ =	sdelay $0x1  }
0xb3: {  	v3 =	vadd.f32 v3, v5  }
0xb4: {  	v1 =	vadd.f32 v1, v2  }
0xb5: {  	[tilespmem:s11+$0xF0] =	vst v3;
	v0 =	vadd.f32 v0, v4  }
0xb6: {  	s31 =	sadd.s32 s6, s10;
	[tilespmem:s11+$0xFFFFFF70] =	vst v1;
	v1 =	vadd.f32 v7, v6  }
0xb7: {  	s1 =	sshll.u32 s31, $0x3;
	[tilespmem:s11+$0xFFFFFFF0] =	vst v0  }
0xb8: {  	s1 =	sadd.s32 s2, s1;
	[tilespmem:s11+$0x70] =	vst v1  }
0xb9: {  	[hbm4b:s1+s3] =	stream.linear.scatter [tilespmem:s18], [sflag:$0x3], $0x4000, $0x38;
	[tilespmem:$0x1E400] =	vst v63  }
0xba: {  	_ =	swait.ge [sflag:s19], $0x4000  }
0xbb: {  	p0 =	seq.s32 s29, $0x31;
	[sflag:s19] =	ssyncset.done $0x0  }
0xbc: {  	s1 =	simm.s32 @!p0 $0x3;
	[sflag:s19] =	ssyncadd.s32 $0xFFFFC000  }
0xbd: {  	_ =	swait.ge @!p0 [sflag:s1], $0x4000  }
0xbe: {  	s29 =	sadd.s32 $0x1, s29;
	[sflag:s1] =	ssyncset.done @!p0 $0x0  }
0xbf: {  	v0 =	vmov s0;
	[sflag:s1] =	ssyncadd.s32 @!p0 $0xFFFFC000;
	s1 =	sshll.u32 @!p0 s29, $0x9  }
0xc0: {  	s10 =	simm.s32 @!p0 $0x6400;
	s7 =	simm.s32 @!p0 $0x80;
	s1 =	sand.u32 @!p0 $0x3FFFFE00, s1  }
0xc1: {  	[tilespmem:s10], [sflag:$0x1] =	stream.indirect.gather @!p0 [hbm4b:s4+s7], $0x40, s1, s7, $0xb8;
	[tilespmem:$0x1E400] =	vst v63  }
0xc2: {  	s30 =	simm.s32 $0x0;
	s0 =	sor.u32 @!p0 $0x80, s1;
	s1 =	simm.s32 @!p0 $0x8400  }
0xc3: {  	[tilespmem:s1], [sflag:$0x1] =	stream.indirect.gather @!p0 [hbm4b:s4+s7], $0x40, s0, s7, $0xb8;
	[tilespmem:$0x1E400] =	vst v63  }
0xc4: {  	v1 =	vld.idx.msk [tilespmem:v0+s30+$0x4180 ss:$0x1], $0xffff  }
0xc5: {  	v2 =	vld [tilespmem:s30+$0xA580]  }
0xc6: {  	v3 =	vld.idx.msk [tilespmem:v0+s30+$0x4000 ss:$0x1], $0xffff  }
0xc7: {  	v4 =	vld.idx.msk [tilespmem:v0+s30+$0x4080 ss:$0x1], $0xffff  }
0xc8: {  	v5 =	vld.idx.msk [tilespmem:v0+s30+$0x4100 ss:$0x1], $0xffff  }
0xc9: {  	v6 =	vld [tilespmem:s30+$0xA400]  }
0xca: {  	v7 =	vld [tilespmem:s30+$0xA500]  }
0xcb: {  	v8 =	vld [tilespmem:s30+$0xA590]  }
0xcc: {  	v9 =	vld [tilespmem:s30+$0xA410]  }
0xcd: {  	v1 =	vadd.f32 v1, v2;
	v2 =	vld [tilespmem:s30+$0xA480]  }
0xce: {  	v10 =	vld [tilespmem:s30+$0xA4B0]  }
0xcf: {  	v11 =	vld [tilespmem:s30+$0xA530];
	v3 =	vadd.f32 v3, v6;
	[tilespmem:s30+$0x12580] =	vst v1  }
0xd0: {  	v1 =	vld.idx.msk [tilespmem:v0+s30+$0x4190 ss:$0x1], $0xffff  }
0xd1: {  	[tilespmem:s30+$0x12400] =	vst v3;
	v3 =	vadd.f32 v5, v7;
	v5 =	vld [tilespmem:s30+$0xA510]  }
0xd2: {  	v6 =	vld.idx.msk [tilespmem:v0+s30+$0x4010 ss:$0x1], $0xffff;
	v2 =	vadd.f32 v4, v2  }
0xd3: {  	[tilespmem:s30+$0x12500] =	vst v3;
	v4 =	vld [tilespmem:s30+$0xA490]  }
0xd4: {  	v3 =	vld.idx.msk [tilespmem:v0+s30+$0x4110 ss:$0x1], $0xffff;
	[tilespmem:s30+$0x12480] =	vst v2  }
0xd5: {  	v1 =	vadd.f32 v1, v8;
	v2 =	vld.idx.msk [tilespmem:v0+s30+$0x4090 ss:$0x1], $0xffff  }
0xd6: {  	v7 =	vld [tilespmem:s30+$0xA5A0]  }
0xd7: {  	v8 =	vld [tilespmem:s30+$0xA420];
	v6 =	vadd.f32 v6, v9;
	[tilespmem:s30+$0x12590] =	vst v1  }
0xd8: {  	v1 =	vld.idx.msk [tilespmem:v0+s30+$0x41A0 ss:$0x1], $0xffff  }
0xd9: {  	v9 =	vld [tilespmem:s30+$0xA4A0];
	[tilespmem:s30+$0x12410] =	vst v6;
	v3 =	vadd.f32 v3, v5  }
0xda: {  	v5 =	vld.idx.msk [tilespmem:v0+s30+$0x4020 ss:$0x1], $0xffff;
	v2 =	vadd.f32 v2, v4  }
0xdb: {  	[tilespmem:s30+$0x12510] =	vst v3;
	v4 =	vld [tilespmem:s30+$0xA520]  }
0xdc: {  	v3 =	vld.idx.msk [tilespmem:v0+s30+$0x4120 ss:$0x1], $0xffff;
	[tilespmem:s30+$0x12490] =	vst v2  }
0xdd: {  	v1 =	vadd.f32 v1, v7;
	v2 =	vld.idx.msk [tilespmem:v0+s30+$0x40A0 ss:$0x1], $0xffff  }
0xde: {  	v12 =	vld [tilespmem:s30+$0xA450]  }
0xdf: {  	v7 =	vld [tilespmem:s30+$0xA5B0];
	[tilespmem:s30+$0x125A0] =	vst v1  }
0xe0: {  	v5 =	vadd.f32 v5, v8;
	v1 =	vld.idx.msk [tilespmem:v0+s30+$0x41B0 ss:$0x1], $0xffff  }
0xe1: {  	v13 =	vld [tilespmem:s30+$0xA5D0];
	v3 =	vadd.f32 v3, v4  }
0xe2: {  	v6 =	vld [tilespmem:s30+$0xA430];
	[tilespmem:s30+$0x12420] =	vst v5;
	v2 =	vadd.f32 v2, v9  }
0xe3: {  	v4 =	vld.idx.msk [tilespmem:v0+s30+$0x4030 ss:$0x1], $0xffff;
	[tilespmem:s30+$0x12520] =	vst v3  }
0xe4: {  	v3 =	vld.idx.msk [tilespmem:v0+s30+$0x4130 ss:$0x1], $0xffff;
	[tilespmem:s30+$0x124A0] =	vst v2  }
0xe5: {  	v1 =	vadd.f32 v1, v7;
	v2 =	vld.idx.msk [tilespmem:v0+s30+$0x40B0 ss:$0x1], $0xffff  }
0xe6: {  	v8 =	vld [tilespmem:s30+$0xA440]  }
0xe7: {  	v5 =	vld [tilespmem:s30+$0xA5C0];
	[tilespmem:s30+$0x125B0] =	vst v1  }
0xe8: {  	v4 =	vadd.f32 v4, v6;
	v1 =	vld.idx.msk [tilespmem:v0+s30+$0x41C0 ss:$0x1], $0xffff  }
0xe9: {  	v9 =	vld [tilespmem:s30+$0xA4C0];
	v3 =	vadd.f32 v3, v11  }
0xea: {  	v7 =	vld [tilespmem:s30+$0xA540];
	[tilespmem:s30+$0x12430] =	vst v4;
	v2 =	vadd.f32 v2, v10  }
0xeb: {  	v6 =	vld.idx.msk [tilespmem:v0+s30+$0x4040 ss:$0x1], $0xffff;
	[tilespmem:s30+$0x12530] =	vst v3  }
0xec: {  	v3 =	vld.idx.msk [tilespmem:v0+s30+$0x4140 ss:$0x1], $0xffff;
	[tilespmem:s30+$0x124B0] =	vst v2  }
0xed: {  	v1 =	vadd.f32 v1, v5;
	v2 =	vld.idx.msk [tilespmem:v0+s30+$0x40C0 ss:$0x1], $0xffff  }
0xee: {  	v14 =	vld [tilespmem:s30+$0xA5E0]  }
0xef: {  	v11 =	vld [tilespmem:s30+$0xA550];
	[tilespmem:s30+$0x125C0] =	vst v1  }
0xf0: {  	v8 =	vadd.f32 v6, v8;
	v1 =	vld.idx.msk [tilespmem:v0+s30+$0x41D0 ss:$0x1], $0xffff  }
0xf1: {  	v4 =	vld [tilespmem:s30+$0xA460];
	v3 =	vadd.f32 v3, v7  }
0xf2: {  	v10 =	vld [tilespmem:s30+$0xA4D0];
	[tilespmem:s30+$0x12440] =	vst v8;
	v2 =	vadd.f32 v2, v9  }
0xf3: {  	v7 =	vld.idx.msk [tilespmem:v0+s30+$0x4050 ss:$0x1], $0xffff;
	[tilespmem:s30+$0x12540] =	vst v3  }
0xf4: {  	v8 =	vld.idx.msk [tilespmem:v0+s30+$0x4150 ss:$0x1], $0xffff;
	[tilespmem:s30+$0x124C0] =	vst v2  }
0xf5: {  	v1 =	vadd.f32 v1, v13;
	v2 =	vld.idx.msk [tilespmem:v0+s30+$0x40D0 ss:$0x1], $0xffff  }
0xf6: {  	v5 =	vld [tilespmem:s30+$0xA4E0]  }
0xf7: {  	v6 =	vld [tilespmem:s30+$0xA560];
	[tilespmem:s30+$0x125D0] =	vst v1  }
0xf8: {  	v3 =	vadd.f32 v7, v12;
	v63 =	vld.idx.msk [tilespmem:v0+s30+$0x41E0 ss:$0x1], $0xffff  }
0xf9: {  	v1 =	vld [tilespmem:s30+$0xA470];
	v8 =	vadd.f32 v8, v11  }
0xfa: {  	[tilespmem:s30+$0x12450] =	vst v3;
	v3 =	vld [tilespmem:s30+$0xA4F0];
	v2 =	vadd.f32 v2, v10  }
0xfb: {  	v7 =	vld.idx.msk [tilespmem:v0+s30+$0x4060 ss:$0x1], $0xffff;
	[tilespmem:s30+$0x12550] =	vst v8  }
0xfc: {  	v10 =	vld.idx.msk [tilespmem:v0+s30+$0x4160 ss:$0x1], $0xffff;
	[tilespmem:s30+$0x124D0] =	vst v2  }
0xfd: {  	v9 =	vld.idx.msk [tilespmem:v0+s30+$0x40E0 ss:$0x1], $0xffff;
	v8 =	vadd.f32 v63, v14  }
0xfe: {  	v2 =	vld [tilespmem:s30+$0xA570]  }
0xff: {  	s0 =	simm.s32 $0x0;
	s1 =	simm.s32 $0x800;
	[tilespmem:s30+$0x125E0] =	vst v8;
	v8 =	vld [tilespmem:s30+$0xA5F0]  }
.LBB2_5:
0x100: {  	s7 =	sshra.s32 s1, $0x2;
	s0 =	sadd.s32 $0x4, s0;
	v11 =	vld.idx.msk [tilespmem:v0+s30+$0x41F0 ss:$0x1], $0xffff  }
0x101: {  	v4 =	vadd.f32 v7, v4;
	v12 =	vld.idx.msk [tilespmem:v0+s7+$0x4180 ss:$0x1], $0xffff;
	p0 =	slt.u32 s0, $0x7C  }
0x102: {  	v5 =	vadd.f32 v9, v5;
	v7 =	vld [tilespmem:s7+$0xA580]  }
0x103: {  	v9 =	vld.idx.msk [tilespmem:v0+s7+$0x4000 ss:$0x1], $0xffff;
	[tilespmem:s30+$0x12460] =	vst v4;
	v4 =	vadd.f32 v10, v6  }
0x104: {  	v6 =	vld.idx.msk [tilespmem:v0+s7+$0x4080 ss:$0x1], $0xffff;
	[tilespmem:s30+$0x124E0] =	vst v5  }
0x105: {  	v5 =	vld.idx.msk [tilespmem:v0+s7+$0x4100 ss:$0x1], $0xffff;
	[tilespmem:s30+$0x12560] =	vst v4  }
0x106: {  	v8 =	vadd.f32 v11, v8;
	v4 =	vld [tilespmem:s7+$0xA400]  }
0x107: {  	v10 =	vld [tilespmem:s7+$0xA480];
	v7 =	vadd.f32 v12, v7  }
0x108: {  	v11 =	vld [tilespmem:s7+$0xA500];
	[tilespmem:s30+$0x125F0] =	vst v8  }
0x109: {  	v8 =	vld [tilespmem:s7+$0xA410];
	[tilespmem:s7+$0x12580] =	vst v7  }
0x10a: {  	v7 =	vld.idx.msk [tilespmem:v0+s7+$0x4190 ss:$0x1], $0xffff  }
0x10b: {  	v4 =	vadd.f32 v9, v4;
	v9 =	vld [tilespmem:s7+$0xA590]  }
0x10c: {  	v6 =	vadd.f32 v6, v10;
	v10 =	vld [tilespmem:s7+$0xA490]  }
0x10d: {  	[tilespmem:s7+$0x12400] =	vst v4;
	v4 =	vadd.f32 v5, v11;
	v5 =	vld [tilespmem:s7+$0xA510]  }
0x10e: {  	v11 =	vld.idx.msk [tilespmem:v0+s7+$0x4010 ss:$0x1], $0xffff;
	[tilespmem:s7+$0x12480] =	vst v6  }
0x10f: {  	v6 =	vld.idx.msk [tilespmem:v0+s7+$0x4090 ss:$0x1], $0xffff;
	[tilespmem:s7+$0x12500] =	vst v4  }
0x110: {  	v4 =	vld.idx.msk [tilespmem:v0+s7+$0x4110 ss:$0x1], $0xffff;
	v7 =	vadd.f32 v7, v9  }
0x111: {  	v9 =	vld [tilespmem:s7+$0xA420]  }
0x112: {  	v12 =	vld [tilespmem:s7+$0xA4A0];
	[tilespmem:s7+$0x12590] =	vst v7  }
0x113: {  	v7 =	vld.idx.msk [tilespmem:v0+s7+$0x41A0 ss:$0x1], $0xffff  }
0x114: {  	v8 =	vadd.f32 v11, v8;
	v11 =	vld [tilespmem:s7+$0xA5A0]  }
0x115: {  	v6 =	vadd.f32 v6, v10;
	v10 =	vld [tilespmem:s7+$0xA520]  }
0x116: {  	v4 =	vadd.f32 v4, v5;
	[tilespmem:s7+$0x12410] =	vst v8;
	v8 =	vld [tilespmem:s7+$0xA430]  }
0x117: {  	v5 =	vld.idx.msk [tilespmem:v0+s7+$0x4020 ss:$0x1], $0xffff;
	[tilespmem:s7+$0x12490] =	vst v6  }
0x118: {  	v6 =	vld.idx.msk [tilespmem:v0+s7+$0x40A0 ss:$0x1], $0xffff;
	[tilespmem:s7+$0x12510] =	vst v4  }
0x119: {  	v4 =	vld.idx.msk [tilespmem:v0+s7+$0x4120 ss:$0x1], $0xffff;
	v7 =	vadd.f32 v7, v11  }
0x11a: {  	v11 =	vld [tilespmem:s7+$0xA4B0]  }
0x11b: {  	v13 =	vld [tilespmem:s7+$0xA530];
	[tilespmem:s7+$0x125A0] =	vst v7  }
0x11c: {  	v7 =	vld.idx.msk [tilespmem:v0+s7+$0x41B0 ss:$0x1], $0xffff  }
0x11d: {  	v5 =	vadd.f32 v5, v9;
	v9 =	vld [tilespmem:s7+$0xA5B0]  }
0x11e: {  	v6 =	vadd.f32 v6, v12;
	v14 =	vld [tilespmem:s7+$0xA440]  }
0x11f: {  	v4 =	vadd.f32 v4, v10;
	[tilespmem:s7+$0x12420] =	vst v5;
	v12 =	vld [tilespmem:s7+$0xA4C0]  }
0x120: {  	v5 =	vld.idx.msk [tilespmem:v0+s7+$0x4030 ss:$0x1], $0xffff;
	[tilespmem:s7+$0x124A0] =	vst v6  }
0x121: {  	v6 =	vld.idx.msk [tilespmem:v0+s7+$0x40B0 ss:$0x1], $0xffff;
	[tilespmem:s7+$0x12520] =	vst v4  }
0x122: {  	v4 =	vld.idx.msk [tilespmem:v0+s7+$0x4130 ss:$0x1], $0xffff;
	v7 =	vadd.f32 v7, v9  }
0x123: {  	v9 =	vld [tilespmem:s7+$0xA540]  }
0x124: {  	v10 =	vld [tilespmem:s7+$0xA450];
	[tilespmem:s7+$0x125B0] =	vst v7  }
0x125: {  	v7 =	vld.idx.msk [tilespmem:v0+s7+$0x41C0 ss:$0x1], $0xffff  }
0x126: {  	v5 =	vadd.f32 v5, v8;
	v8 =	vld [tilespmem:s7+$0xA5C0]  }
0x127: {  	v6 =	vadd.f32 v6, v11;
	v11 =	vld [tilespmem:s7+$0xA4D0]  }
0x128: {  	v4 =	vadd.f32 v4, v13;
	[tilespmem:s7+$0x12430] =	vst v5;
	v13 =	vld [tilespmem:s7+$0xA550]  }
0x129: {  	v15 =	vld.idx.msk [tilespmem:v0+s7+$0x4040 ss:$0x1], $0xffff;
	[tilespmem:s7+$0x124B0] =	vst v6  }
0x12a: {  	v6 =	vld.idx.msk [tilespmem:v0+s7+$0x40C0 ss:$0x1], $0xffff;
	[tilespmem:s7+$0x12530] =	vst v4  }
0x12b: {  	v16 =	vld.idx.msk [tilespmem:v0+s7+$0x4140 ss:$0x1], $0xffff;
	v7 =	vadd.f32 v7, v8  }
0x12c: {  	v4 =	vld [tilespmem:s7+$0xA460]  }
0x12d: {  	v5 =	vld [tilespmem:s7+$0xA4E0];
	[tilespmem:s7+$0x125C0] =	vst v7  }
0x12e: {  	v7 =	vld.idx.msk [tilespmem:v0+s7+$0x41D0 ss:$0x1], $0xffff  }
0x12f: {  	v8 =	vadd.f32 v15, v14;
	v14 =	vld [tilespmem:s7+$0xA5D0]  }
0x130: {  	v12 =	vadd.f32 v6, v12;
	v6 =	vld [tilespmem:s7+$0xA560]  }
0x131: {  	[tilespmem:s7+$0x12440] =	vst v8;
	v8 =	vadd.f32 v16, v9;
	v9 =	vld.idx.msk [tilespmem:v0+s30+$0x4070 ss:$0x1], $0xffff  }
0x132: {  	v15 =	vld.idx.msk [tilespmem:v0+s7+$0x4050 ss:$0x1], $0xffff;
	[tilespmem:s7+$0x124C0] =	vst v12  }
0x133: {  	v12 =	vld.idx.msk [tilespmem:v0+s7+$0x40D0 ss:$0x1], $0xffff;
	[tilespmem:s7+$0x12540] =	vst v8  }
0x134: {  	v8 =	vld.idx.msk [tilespmem:v0+s7+$0x4150 ss:$0x1], $0xffff;
	v7 =	vadd.f32 v7, v14  }
0x135: {  	v14 =	vld.idx.msk [tilespmem:v0+s30+$0x40F0 ss:$0x1], $0xffff  }
0x136: {  	[tilespmem:s7+$0x125D0] =	vst v7;
	v16 =	vld.idx.msk [tilespmem:v0+s30+$0x4170 ss:$0x1], $0xffff  }
0x137: {  	v7 =	vadd.f32 v9, v1;
	v17 =	vld.idx.msk [tilespmem:v0+s7+$0x41E0 ss:$0x1], $0xffff  }
0x138: {  	v9 =	vadd.f32 v15, v10;
	v15 =	vld [tilespmem:s7+$0xA5E0]  }
0x139: {  	v10 =	vadd.f32 v12, v11;
	v1 =	vld [tilespmem:s7+$0xA470];
	[tilespmem:s30+$0x12470] =	vst v7  }
0x13a: {  	v8 =	vadd.f32 v8, v13;
	[tilespmem:s7+$0x12450] =	vst v9;
	v11 =	vld [tilespmem:s7+$0xA4F0]  }
.Ltmp1:
0x13b: {  	v3 =	vadd.f32 v14, v3;
	v7 =	vld.idx.msk [tilespmem:v0+s7+$0x4060 ss:$0x1], $0xffff;
	[tilespmem:s7+$0x124D0] =	vst v10;
	(pc) =	sbr.rel @p0 .LBB2_5-.Ltmp1, $4  }
0x13c: {  	v9 =	vld.idx.msk [tilespmem:v0+s7+$0x40E0 ss:$0x1], $0xffff;
	[tilespmem:s7+$0x12550] =	vst v8;
	v8 =	vadd.f32 v16, v2  }
0x13d: {  	v10 =	vld.idx.msk [tilespmem:v0+s7+$0x4160 ss:$0x1], $0xffff;
	v12 =	vadd.f32 v17, v15;
	[tilespmem:s30+$0x124F0] =	vst v3  }
0x13e: {  	v2 =	vld [tilespmem:s7+$0xA570];
	[tilespmem:s30+$0x12570] =	vst v8;
	s30 =	smov.u32 s7  }
0x13f: {  	s1 =	sadd.s32 $0x800, s1;
	[tilespmem:s30+$0x125E0] =	vst v12;
	v8 =	vld [tilespmem:s30+$0xA5F0];
	v3 =	vmov v11  }
0x140: {  	_ =	sdelay $0x1  }
0x141: {  	v4 =	vadd.f32 v7, v4  }
0x142: {  	v5 =	vadd.f32 v9, v5  }
0x143: {  	v58 =	vld.idx.msk [tilespmem:v0+s30+$0x41F0 ss:$0x1], $0xffff;
	[tilespmem:s30+$0x12460] =	vst v4;
	v59 =	vadd.f32 v10, v6  }
0x144: {  	[tilespmem:s30+$0x124E0] =	vst v5;
	v60 =	vld.idx.msk [tilespmem:v0+s30+$0x4070 ss:$0x1], $0xffff  }
0x145: {  	[tilespmem:s30+$0x12560] =	vst v59;
	v61 =	vld.idx.msk [tilespmem:v0+s30+$0x40F0 ss:$0x1], $0xffff  }
0x146: {  	v62 =	vld.idx.msk [tilespmem:v0+s30+$0x4170 ss:$0x1], $0xffff;
	_ =	sdelay $0x1  }
0x147: {  	v63 =	vadd.f32 v58, v8  }
0x148: {  	p0 =	sne.s32 s29, $0x32;
	v1 =	vadd.f32 v60, v1  }
.Ltmp2:
0x149: {  	s0 =	sadd.s32 s6, s28;
	[tilespmem:s30+$0x125F0] =	vst v63;
	v3 =	vadd.f32 v61, v3;
	(pc) =	sbr.rel @p0 .LBB2_2-.Ltmp2, $4  }
0x14a: {  	s0 =	sshll.u32 s0, $0x3;
	[tilespmem:s30+$0x12470] =	vst v1;
	v0 =	vadd.f32 v62, v2  }
0x14b: {  	s26 =	sadd.s32 $0x200, s26;
	s0 =	sand.u32 $0x1FFFF800, s0;
	[tilespmem:s30+$0x124F0] =	vst v3  }
0x14c: {  	s24 =	sadd.s32 $0x8000, s24;
	s25 =	sadd.s32 $0x200, s25;
	s0 =	sadd.s32 s2, s0;
	[tilespmem:s30+$0x12570] =	vst v0  }
0x14d: {  	[hbm4b:s0+s3] =	stream.linear.scatter [tilespmem:s20], [sflag:$0x4], $0x4000, $0x38;
	[tilespmem:$0x1E400] =	vst v63  }
0x14e: {  	s23 =	sadd.s32 $0x1, s23  }
0x14f: {  	_ =	swait.ge [sflag:s21], $0x4000;
	p0 =	sne.s32 s23, s8  }
.Ltmp3:
0x150: {  	[sflag:s21] =	ssyncset.done $0x0;
	(pc) =	sbr.rel @p0 .LBB2_1-.Ltmp3, $4  }
0x151: {  	[sflag:s21] =	ssyncadd.s32 $0xFFFFC000  }
0x152: {  	_ =	swait.ge [sflag:s22], $0x4000  }
0x153: {  	[sflag:s22] =	ssyncset.done $0x0  }
0x154: {  	[sflag:s22] =	ssyncadd.s32 $0xFFFFC000  }
0x155: {  	_ =	sfence.sel $0x180000  }
0x156: {  	[bflag:$0x0] =	sbarrier.arrive $0xFFFF  }
0x157: {  	_ =	strace $0x90000047  }
0x158: {  	s0 =	stileid.u32;
	[bflag:$0x2] =	sbarrier.arrive $0xFFFF  }
0x159: {  	p0 =	sne.s32 s0, $0x0;
	s0 =	rddreg [dreg:$0x2]  }
0x15a: {  	s0 =	sadd.s32 @!p0 $0x100000, s0  }
0x15b: {  	[sflag:s0] =	ssyncadd.tile.s32 @!p0 $0x1;
	_ =	shalt  }
.Lfunc_end2:
_tile_overlayer_lowered:
.L_overlay_start_2:
0x15c: {  	(tag) =	ssettag $0x2  }
0x15d: {  	s0 =	rddreg [dreg:$0x0];
	s2 =	stileid.u32  }
0x15e: {  	s1 =	rddreg [dreg:$0x1];
	p0 =	sne.s32 s2, $0x0  }
0x15f: {  	s3 =	rddreg [dreg:$0x2];
	[bflag:$0x3] =	sbarrier.arrive $0xFFFF;
	s2 =	simm.s32 @!p0 $0x1C05  }
0x160: {  	[timem:s3], [sflag:s2] =	dma.local @!p0 [hbm:s0], s1  }
0x161: {  	s0 =	simm.s32 @!p0 $0x5  }
0x162: {  	_ =	swait.ge @!p0 [sflag:s0], s1  }
0x163: {  	s1 =	ssub.s32 @!p0 $0x0, s1;
	[sflag:s0] =	ssyncset.done @!p0 $0x0  }
0x164: {  	[sflag:s0] =	ssyncadd.s32 @!p0 s1  }
0x165: {  	[bflag:$0x3] =	sbarrier.arrive $0xFFFF  }
0x166: {  	_ =	shalt  }

// kernel: sparse-core-data-format-call.cloned.1.call-start
scs
called_computation_lowered:
.L_overlay_start_0:
0x0: {  	s2 =	sld [smem:$0x3FD9]  }
0x1: {  	s3 =	sld [smem:$0x3FFE];
	_ =	sdelay $0x1  }
0x2: {  	s1 =	srdreg.scid  }
0x3: {  	s0 =	sand.u32 $0x1, s1  }
0x4: {  	s18 =	sshll.u32 s0, $0xA;
	s2 =	sadd.s32 s3, s2  }
0x5: {  	s2 =	sadd.s32 s2, s18  }
0x6: {  	[smem:$0x3FC5] =	sst s2  }
0x7: {  	_ = 	snop  }
0x8: {  	s2 =	sld [smem:$0x3FD0];
	(tm) =	ssettm $0x1  }
0x9: {  	s19 =	sld [smem:$0x3FFB];
	_ =	sdelay $0x3  }
0xa: {  	_ =	strace s19  }
0xb: {  	s3 =	sld [smem:$0x3FFC];
	_ =	sdelay $0x3  }
0xc: {  	_ =	strace s3  }
0xd: {  	s3 =	sld [smem:$0x3FFD];
	_ =	sdelay $0x3  }
0xe: {  	_ =	strace s3  }
0xf: {  	_ =	strace $0x8FFFFFFF  }
0x10: {  	s20 =	sld [smem:$0x3FDB];
	_ =	sdelay $0x1  }
0x11: {  	s4 =	simm.s32 $_scs_section_size  }
0x12: {  	s5 =	simm.s32 $_size__tile_overlayer_lowered;
	s6 =	simm.s32 $_tile_overlayer_lowered  }
0x13: {  	s23 =	simm.s32 $0x1BFF;
	s22 =	sshll.u32 s6, $0x1;
	s3 =	sadd.s32 s4, s20  }
0x14: {  	s7 =	simm.s32 $0x0;
	s21 =	sshll.u32 s5, $0x1;
	s5 =	sadd.s32 s22, s3  }
0x15: {  	[timem:s7], [sflag:s23] =	dma.local [hbm:s5], s21  }
0x16: {  	_ =	swait.ge [sflag:s23], s21  }
0x17: {  	s4 =	ssub.s32 $0x0, s21;
	[sflag:s23] =	ssyncset.done $0x0  }
0x18: {  	[sflag:s23] =	ssyncadd.s32 s4;
	_ =	sdelay $0x1  }
0x19: {  	s24 =	simm.s32 $0x1B8B  }
0x1a: {  	_ =	swait.ge [sflag:s24], $0x1  }
0x1b: {  	[sflag:s24] =	ssyncset.done $0x0  }
0x1c: {  	s26 =	simm.s32 $0x1B8E;
	s25 =	sld [smem:$0x3FFE];
	[sflag:s24] =	ssyncadd.s32 $0xFFFFFFFF  }
0x1d: {  	s27 =	simm.s32 $execute0_lowered;
	[smem:$0x3FD2] =	sst s26  }
0x1e: {  	s5 =	sshll.u32 s27, $0x1;
	_ =	strace $0x80000049;
	[dreg:$0x1] =	wrdreg $0xFFFFFFFF  }
0x1f: {  	s28 =	simm.s32 $_size_execute0_lowered;
	s3 =	sadd.s32 s3, s5;
	[dreg:$0x0] =	wrdreg $0x0  }
0x20: {  	s5 =	sshll.u32 s28, $0x1;
	[dreg:$0x2] =	wrdreg s3  }
0x21: {  	[dreg:$0x3] =	wrdreg s5  }
0x22: {  	[dreg:$0x4] =	wrdreg $0xC0  }
0x23: {  	_ =	task [dreg:s7], $0x5FFFF  }
0x24: {  	[dreg:$0x1] =	wrdreg $0xFFFFFFFF  }
0x25: {  	[dreg:$0x0] =	wrdreg $0x60  }
0x26: {  	[dreg:$0x2] =	wrdreg s25  }
0x27: {  	[dreg:$0x3] =	wrdreg s2  }
0x28: {  	[dreg:$0x4] =	wrdreg $0x9  }
0x29: {  	_ =	task.clear_ibuf [dreg:s7], $0x5FFFF;
	_ =	strace $0x90000049  }
0x2a: {  	s29 =	simm.s32 $0x9;
	_ =	strace $0x8000004B  }
0x2b: {  	_ =	swait.ge [sflag:s29], $0x1  }
0x2c: {  	[sflag:s29] =	ssyncadd.s32 $0xFFFFFFFF  }
0x2d: {  	_ =	strace $0x9000004B  }
0x2e: {  	_ =	sfence  }
0x2f: {  	s30 =	sld [smem:$0x0];
	_ =	sdelay $0x2  }
0x30: {  	s31 =	sshll.u32 s1, $0xD;
	s1 =	sshrl.u32 s1, $0x2  }
0x31: {  	s3 =	sand.u32 $0x4000, s31;
	s1 =	sadd.s32 s1, s30  }
0x32: {  	s0 =	sor.u32 s3, s0;
	s1 =	sshll.u32 s1, $0x11  }
0x33: {  	s0 =	sor.u32 s1, s0  }
0x34: {  	s0 =	sadd.s32 $0x8F2B, s0  }
0x35: {  	[sflag:s0] =	ssyncadd.remote.s32 $0x1  }
0x36: {  	_ =	sfence.sel $0xFFFF  }
0x37: {  	[dreg:$0x0] =	wrdreg $0xFFFFFFFF;
	(pc) =	sbr.abs _section_cstart, $3  }
0x38: {  	[dreg:$0x1] =	wrdreg $0xFFFFFFFF  }
0x39: {  	_ =	task.clear_ibuf [dreg:s7], $0x2FFFF;
	_ =	strace $0x9FFFFFFF  }
0x3a: {  	(tm) =	ssettm $0x7FFFFFFF  }
0x3b: {  	_ =	shalt  }
tec
execute0_lowered:
.L_overlay_start_1:
0x0: {  	(tag) =	ssettag $0x1  }
0x1: {  	s0 =	srdreg.scid  }
0x2: {  	s1 =	sshll.u32 s0, $0x4  }
0x3: {  	s0 =	stileid.u32;
	s1 =	sand.u32 $0x10, s1  }
0x4: {  	s1 =	sor.u32 s0, s1  }
0x5: {  	s6 =	rddreg [dreg:$0x0];
	s4 =	simm.s32 $0x1;
	s2 =	sshll.u32 s1, $0x7  }
0x6: {  	s7 =	simm.s32 $0x2;
	s12 =	simm.s32 $0x0;
	s1 =	ssub.s32 $0x1000, s2  }
0x7: {  	s8 =	simm.s32 $0x8000;
	s13 =	simm.s32 $0x0;
	s3 =	sand.u32 $0xF80, s1  }
0x8: {  	s9 =	simm.s32 $0x0;
	s5 =	sshrl.u32 s1, $0xC;
	p0 =	sne.s32 s3, $0x0  }
.Ltmp0:
0x9: {  	s1 =	rddreg [dreg:$0x2];
	s4 =	simm.s32 @!p0 $0x0;
	(pc) =	sbr.rel .LBB1_1-.Ltmp0, $4  }
0xa: {  	s11 =	simm.s32 $0x0;
	s3 =	rddreg [dreg:$0x1];
	s5 =	sadd.s32 s4, s5  }
0xb: {  	_ =	strace $0x8000004A;
	s4 =	simm.s32 $0x1;
	s5 =	smul.u32 $0xC8, s5  }
0xc: {  	s6 =	sadd.s32 $0x800, s6;
	s10 =	smov.u32 s2;
	[sflag:s4] =	ssyncpa.u1 $0x0  }
0xd: {  	p0 =	por $0x0, $0x0;
	[sflag:s7] =	ssyncpa.u1 $0x0;
	s7 =	sor.u32 $0x1, s5  }
.LBB1_4:
0xe: {  	s16 =	sshll.u32 s13, $0x3;
	s17 =	sand.u32 $0x78, s13  }
0xf: {  	s30 =	sand.u32 $0x7E00, s13;
	s12 =	sshll.u32 s12, $0xF;
	s16 =	sand.u32 $0xC00, s16  }
0x10: {  	[tilespmem:s15+$0x810 ss:$0x81] =	vst.msk $0xffff, v2;
	s31 =	sand.u32 $0x7, s13;
	s16 =	sor.u32 s17, s16;
	s17 =	sadd.s32 s3, s30  }
0x11: {  	[tilespmem:s15+$0x1020 ss:$0x81] =	vst.msk $0xffff, v0;
	s13 =	sshll.u32 s31, $0x12;
	s12 =	sadd.s32 s12, s17;
	s16 =	sshrl.u32 s16, $0x3  }
0x12: {  	[tilespmem:s15+$0x0 ss:$0x81] =	vst.msk $0xffff, v1;
	s13 =	sor.u32 $0x400, s13;
	s12 =	sadd.s32 s16, s12  }
0x13: {  	[hbm4b:s12+s13] =	stream.strided.scatter [tilespmem:s14], [sflag:$0x2], $0x2000, s8, s13, $0x20;
	[tilespmem:$0x8080] =	vst v63  }
.LBB1_5:
0x14: {  	s14 =	sadd.s32 $0x1, s9  }
0x15: {  	s12 =	sadd.s32 $0x1000, s10;
	s16 =	smov.u32 s10;
	p2 =	sgt.s32 s14, $0xC7  }
0x16: {  	s16 =	smov.u32 @p2 s12  }
0x17: {  	s14 =	simm.s32 @p2 $0x0;
	p2 =	sgt.s32 s16, $0xFFF  }
0x18: {  	s16 =	smov.u32 @p2 s2;
	p2 =	sne.s32 s11, s7  }
.Ltmp1:
0x19: {  	p1 =	slt.u32 s11, $0x2;
	(pc) =	sbr.rel @!p2 .LBB1_6-.Ltmp1, $4  }
0x1a: {  	s15 =	simm.s32 @!p1 $0x2  }
0x1b: {  	s13 =	smov.u32 s10;
	p0 =	por !p0, !p0;
	_ =	swait.ge @!p1 [sflag:s15], $0x2000  }
0x1c: {  	s12 =	smov.u32 s9;
	[sflag:s15] =	ssyncset.done @!p1 $0x0;
	s9 =	smov.u32 s14  }
0x1d: {  	s11 =	sadd.s32 $0x1, s11;
	[sflag:s15] =	ssyncadd.s32 @!p1 $0xFFFFE000;
	s10 =	smov.u32 s16  }
.LBB1_1:
0x1e: {  	p1 =	sge.u32 s11, s5  }
0x1f: {  	s14 =	sand.u32 @!p1 $0x1FFFFFF, s9  }
0x20: {  	s15 =	smulhi.u32 @!p1 $0x147AE15, s14;
	_ =	sdelay $0x1  }
0x21: {  	s15 =	smul.u32 @!p1 $0xC8, s15  }
0x22: {  	s16 =	sxor.u32 @!p1 $0xFFFFFFFF, s11;
	s17 =	smul.u32 @!p1 $0xC80, s10  }
0x23: {  	s31 =	sadd.s32 $0xFFFFFFFF, s11;
	s16 =	sshll.u32 @!p1 s16, $0xD;
	s14 =	ssub.s32 @!p1 s14, s15  }
0x24: {  	s15 =	sand.u32 @!p1 $0x2000, s16;
	s16 =	sadd.s32 @!p1 s6, s17;
	s14 =	sshll.u32 @!p1 s14, $0x4  }
0x25: {  	s17 =	simm.s32 @!p1 $0x6400;
	s14 =	sadd.s32 @!p1 s14, s16;
	s16 =	simm.s32 @!p1 $0x40  }
0x26: {  	[tilespmem:s15], [sflag:$0x1] =	stream.strided.gather @!p1 [hbm4b:s14+s16], $0x2000, s17, s16, $0x38;
	[tilespmem:$0x8080] =	vst v63  }
0x27: {  	p1 =	sge.u32 s31, s5  }
.Ltmp2:
0x28: {  	_ = 	snop;
	(pc) =	sbr.rel @p1 .LBB1_5-.Ltmp2, $1  }
0x29: {  	_ =	sdelay $0x3  }
0x2a: {  	s14 =	simm.s32 $0x1  }
0x2b: {  	_ =	swait.ge [sflag:s4], $0x2000;
	s14 =	simm.s32 @!p0 $0x0  }
0x2c: {  	[sflag:s4] =	ssyncset.done $0x0;
	s15 =	sshll.u32 s14, $0xD  }
0x2d: {  	[sflag:s4] =	ssyncadd.s32 $0xFFFFE000;
	s18 =	sor.u32 $0x20, s15  }
0x2e: {  	s14 =	smul.u32 $0x8100, s14;
	v3 =	vld [tilespmem:s18+$0x10]  }
0x2f: {  	s30 =	sand.u32 $0x1, s11;
	v2 =	vld [tilespmem:s18+$0xFFFFFFF0]  }
0x30: {  	s15 =	smul.u32 $0x8100, s30;
	s14 =	sshrl.u32 s14, $0x2;
	v0 =	vld [tilespmem:s18+$0x0]  }
0x31: {  	v1 =	vld [tilespmem:s18+$0xFFFFFFE0];
	s16 =	sor.u32 $0x4000, s14  }
0x32: {  	s31 =	sshrl.u32 s15, $0x2;
	s15 =	sadd.s32 $0x0, s16  }
0x33: {  	s17 =	simm.s32 $0x4;
	s18 =	sadd.s32 $0x40, s18;
	s14 =	sor.u32 $0x4000, s31;
	[tilespmem:s15+$0x1830 ss:$0x81] =	vst.msk $0xffff, v3  }
.LBB1_3:
0x34: {  	v3 =	vld [tilespmem:s18+$0x10];
	p1 =	sne.s32 s17, $0x1FC;
	[tilespmem:s15+$0x810 ss:$0x81] =	vst.msk $0xffff, v2;
	s19 =	smov.u32 s17;
	s17 =	sadd.s32 $0x4, s17  }
.Ltmp3:
0x35: {  	v2 =	vld [tilespmem:s18+$0xFFFFFFF0];
	[tilespmem:s15+$0x1020 ss:$0x81] =	vst.msk $0xffff, v0;
	(pc) =	sbr.rel @p1 .LBB1_3-.Ltmp3, $4  }
0x36: {  	v0 =	vld [tilespmem:s18+$0x0];
	[tilespmem:s15+$0x0 ss:$0x81] =	vst.msk $0xffff, v1  }
0x37: {  	s15 =	sshra.s32 s19, $0x2;
	v1 =	vld [tilespmem:s18+$0xFFFFFFE0]  }
0x38: {  	s15 =	sadd.s32 s15, s16  }
0x39: {  	s18 =	sadd.s32 $0x40, s18;
	[tilespmem:s15+$0x1830 ss:$0x81] =	vst.msk $0xffff, v3  }
.Ltmp4:
0x3a: {  	_ = 	snop;
	(pc) =	sbr.rel .LBB1_4-.Ltmp4, $1  }
0x3b: {  	_ =	sdelay $0x3  }
.LBB1_6:
0x3c: {  	_ =	sfence.sel $0x180000  }
0x3d: {  	s2 =	simm.s32 $0x1;
	[bflag:$0x0] =	sbarrier.arrive $0xFFFF  }
0x3e: {  	s31 =	simm.s32 $0x2;
	[sflag:s2] =	ssyncpa.u1 $0x1  }
0x3f: {  	[sflag:s31] =	ssyncpa.u1 $0x1  }
0x40: {  	p0 =	sne.s32 s0, $0x0;
	_ =	strace $0x9000004A  }
0x41: {  	s0 =	sadd.s32 @!p0 $0x100000, s1;
	[bflag:$0x2] =	sbarrier.arrive $0xFFFF  }
0x42: {  	[sflag:s0] =	ssyncadd.tile.s32 @!p0 $0x1;
	_ =	shalt  }
.Lfunc_end1:
_tile_overlayer_lowered:
.L_overlay_start_2:
0x43: {  	(tag) =	ssettag $0x2  }
0x44: {  	s0 =	rddreg [dreg:$0x0];
	s2 =	stileid.u32  }
0x45: {  	s1 =	rddreg [dreg:$0x1];
	p0 =	sne.s32 s2, $0x0  }
0x46: {  	s3 =	rddreg [dreg:$0x2];
	[bflag:$0x3] =	sbarrier.arrive $0xFFFF;
	s2 =	simm.s32 @!p0 $0x1C01  }
0x47: {  	[timem:s3], [sflag:s2] =	dma.local @!p0 [hbm:s0], s1  }
0x48: {  	s0 =	simm.s32 @!p0 $0x1  }
0x49: {  	_ =	swait.ge @!p0 [sflag:s0], s1  }
0x4a: {  	s1 =	ssub.s32 @!p0 $0x0, s1;
	[sflag:s0] =	ssyncset.done @!p0 $0x0  }
0x4b: {  	[sflag:s0] =	ssyncadd.s32 @!p0 s1  }
0x4c: {  	[bflag:$0x3] =	sbarrier.arrive $0xFFFF  }
0x4d: {  	_ =	shalt  }

</sc_bundles>
